<compile_context>
chip_gen: v7x
topology: tpu7x:2x2x1
jax: 0.10.2.dev20260603
libtpu: 0.0.44.dev20260713+nightly
codegen_flags: <defaults>
</compile_context>

<pallas_src>
import functools

import jax
import jax.numpy as jnp
from jax import lax
from jax.experimental import pallas as pl
from jax.experimental.pallas import tpu as pltpu
from jax.experimental.pallas import tpu_sc as plsc

_NUM_FIELDS = 26
_VOCAB = 100000
_EMBED_DIM = 32
_PROJ_DIM = 128
_IN_DIM = _NUM_FIELDS * _EMBED_DIM

_OUT_CHUNK = 4096
_MLP_BM = 1024

_INV_SQRT2 = 0.7071067811865476


def _sc_gather_transposed(tables_t, idx_t, batch, f0, nf):
    mesh = plsc.VectorSubcoreMesh(core_axis_name="c", subcore_axis_name="s")
    num_workers = mesh.num_cores * mesh.num_subcores
    num_jobs = nf * _EMBED_DIM
    jobs_per_w = num_jobs // num_workers
    n_chunks = batch // _OUT_CHUNK
    vecs_per_chunk = _OUT_CHUNK // 16

    @functools.partial(
        pl.kernel,
        out_type=jax.ShapeDtypeStruct((num_jobs, batch), jnp.float32),
        mesh=mesh,
        compiler_params=pltpu.CompilerParams(needs_layout_passes=False),
        scratch_types=[
            pltpu.VMEM((_VOCAB,), jnp.float32),
            pltpu.VMEM((batch,), jnp.int32),
            pltpu.VMEM((2, _OUT_CHUNK), jnp.float32),
            pltpu.SemaphoreType.DMA,
            pltpu.SemaphoreType.DMA,
            pltpu.SemaphoreType.DMA,
        ],
    )
    def gather_kernel(tab_hbm, idx_hbm, out_hbm, row_v, idx_v, out_v,
                      rsem, osem0, osem1):
        wid = lax.axis_index("s") * mesh.num_cores + lax.axis_index("c")
        job0 = wid * jobs_per_w
        osems = (osem0, osem1)

        @pl.loop(0, jobs_per_w)
        def _(t):
            j = job0 + t
            f = f0 + j // _EMBED_DIM
            e = j % _EMBED_DIM

            @pl.when(jnp.logical_or(t == 0, e == 0))
            def _():
                pltpu.sync_copy(idx_hbm.at[f], idx_v)

            pltpu.async_copy(tab_hbm.at[f, e], row_v, rsem).wait()

            for cc in range(n_chunks):
                buf = cc % 2
                base = cc * _OUT_CHUNK
                gc = t * n_chunks + cc

                @pl.when(gc >= 2)
                def _():
                    pltpu.make_async_copy(
                        out_v.at[buf],
                        out_hbm.at[j, pl.ds(base, _OUT_CHUNK)],
                        osems[buf],
                    ).wait()

                @plsc.parallel_loop(0, vecs_per_chunk, unroll=16)
                def _(k):
                    pos = k * 16
                    vec_idx = idx_v[pl.ds(base + pos, 16)]
                    out_v[buf, pl.ds(pos, 16)] = plsc.load_gather(
                        row_v, [vec_idx]
                    )

                pltpu.async_copy(
                    out_v.at[buf],
                    out_hbm.at[j, pl.ds(base, _OUT_CHUNK)],
                    osems[buf],
                )

        for buf in range(2):
            pltpu.make_async_copy(
                out_v.at[buf],
                out_hbm.at[job0, pl.ds(buf * _OUT_CHUNK, _OUT_CHUNK)],
                osems[buf],
            ).wait()

    return gather_kernel(tables_t, idx_t)


def _mlp_body(xt_ref, w1_ref, b1_ref, w2_ref, b2_ref, o_ref):
    h = lax.dot_general(
        xt_ref[...], w1_ref[...],
        dimension_numbers=(((0,), (0,)), ((), ())),
        preferred_element_type=jnp.float32,
        precision=lax.Precision.DEFAULT,
    ) + b1_ref[...]
    h = 0.5 * h * (1.0 + lax.erf(h * _INV_SQRT2))
    o_ref[...] = jnp.dot(h, w2_ref[...],
                         preferred_element_type=jnp.float32,
                         precision=lax.Precision.DEFAULT) + b2_ref[...]


def _tc_mlp(xt, W1, b1, W2, b2, batch):
    return pl.pallas_call(
        _mlp_body,
        grid=(batch // _MLP_BM,),
        in_specs=[
            pl.BlockSpec((_IN_DIM, _MLP_BM), lambda i: (0, i)),
            pl.BlockSpec((_IN_DIM, _PROJ_DIM), lambda i: (0, 0)),
            pl.BlockSpec((1, _PROJ_DIM), lambda i: (0, 0)),
            pl.BlockSpec((_PROJ_DIM, _PROJ_DIM), lambda i: (0, 0)),
            pl.BlockSpec((1, _PROJ_DIM), lambda i: (0, 0)),
        ],
        out_specs=pl.BlockSpec((_MLP_BM, _PROJ_DIM), lambda i: (i, 0)),
        out_shape=jax.ShapeDtypeStruct((batch, _PROJ_DIM), jnp.float32),
        compiler_params=pltpu.CompilerParams(
            dimension_semantics=("parallel",)),
    )(xt, W1, b1.reshape(1, _PROJ_DIM), W2, b2.reshape(1, _PROJ_DIM))


def kernel(tables, W1, b1, W2, b2, x_cat):
    batch = x_cat.shape[0]
    tables_t = tables.transpose(0, 2, 1)
    idx_t = x_cat.astype(jnp.int32).T
    xt = _sc_gather_transposed(tables_t, idx_t, batch, 0, _NUM_FIELDS)
    return _tc_mlp(xt, W1, b1, W2, b2, batch)

# --- scband reference (transcript-rebuilt; emitter-appended) ---
"""Pipeline reference for scband-cat-embeddings-38414187496028 (READ-ONLY COPY).

The authoritative reference and input builder live on the scoring server;
editing this copy changes nothing except your own understanding.
"""

import jax, jax.numpy as jnp
import numpy as np

NUM_FIELDS = 26
VOCAB = 100000
EMBED_DIM = 32
PROJ_DIM = 128
BATCH = 16384


def setup_inputs(seed: int = 0) -> dict:
    key = jax.random.key(seed)
    k1, k2, k3, k4, k5, k6 = jax.random.split(key, 6)
    x_cat = jax.random.randint(k1, (BATCH, NUM_FIELDS), 0, VOCAB, dtype=jnp.int64 if jax.config.jax_enable_x64 else jnp.int32)
    tables = jax.random.normal(k2, (NUM_FIELDS, VOCAB, EMBED_DIM), dtype=jnp.float32) * 0.05
    in_dim = EMBED_DIM * NUM_FIELDS
    W1 = jax.random.normal(k3, (in_dim, PROJ_DIM), dtype=jnp.float32) * (1.0 / np.sqrt(in_dim))
    b1 = jnp.zeros((PROJ_DIM,), dtype=jnp.float32)
    W2 = jax.random.normal(k4, (PROJ_DIM, PROJ_DIM), dtype=jnp.float32) * (1.0 / np.sqrt(PROJ_DIM))
    b2 = jnp.zeros((PROJ_DIM,), dtype=jnp.float32)
    return {"tables": tables, "W1": W1, "b1": b1, "W2": W2, "b2": b2, "x_cat": x_cat}


def reference(tables, W1, b1, W2, b2, x_cat):
    # per-field embedding lookup: tables[f][x_cat[:, f]] for each field f
    fidx = jnp.arange(NUM_FIELDS)[None, :]  # [1, F] broadcasts against x_cat [B, F]
    embs = tables[fidx, x_cat]  # [B, F, EMBED_DIM]
    x = embs.reshape(x_cat.shape[0], NUM_FIELDS * EMBED_DIM)  # concat along dim=1
    h = jnp.dot(x, W1) + b1
    h = jax.nn.gelu(h, approximate=False)  # torch nn.GELU default is exact erf
    out = jnp.dot(h, W2) + b2
    return out

if __name__ == "__main__":
    import jax
    _d = setup_inputs()
    print(jax.jit(kernel)(*tuple(_d.values())))

</pallas_src>

<mosaic_0001>
#map = affine_map<(d0, d1) -> (0, 0, 0)>
#map1 = affine_map<(d0, d1) -> (0, 0)>
module attributes {stable_mosaic.version = 14 : i64} {
  func.func @gather_kernel(%arg0: i32, %arg1: i32, %arg2: memref<26x32x100000xf32, #tpu.memory_space<hbm>>, %arg3: memref<26x16384xi32, #tpu.memory_space<hbm>>, %arg4: memref<832x16384xf32, #tpu.memory_space<hbm>>, %arg5: memref<100000xf32, #tpu.memory_space<vmem>>, %arg6: memref<16384xi32, #tpu.memory_space<vmem>>, %arg7: memref<2x4096xf32, #tpu.memory_space<vmem>>, %arg8: memref<!tpu.dma_semaphore, #tpu.memory_space<semaphore_mem>>, %arg9: memref<!tpu.dma_semaphore, #tpu.memory_space<semaphore_mem>>, %arg10: memref<!tpu.dma_semaphore, #tpu.memory_space<semaphore_mem>>) attributes {dimension_semantics = [#tpu.dimension_semantics<core_parallel>, #tpu.dimension_semantics<subcore_parallel>], iteration_bounds = array<i64: 2, 16>, scalar_prefetch = 0 : i64, scratch_operands = 6 : i64, tpu.core_type = #tpu.core_type<sc_vector_subcore>, window_params = [{transform_indices = #map}, {transform_indices = #map1}, {transform_indices = #map1}]} {
    %mul3A = arith.constant 2 : i32
    %mul3A_0 = arith.muli %arg1, %mul3A : i32
    %add3A = arith.addi %mul3A_0, %arg0 : i32
    %mul3A_1 = arith.constant 26 : i32
    %mul3A_2 = arith.muli %add3A, %mul3A_1 : i32
    %scan3A = arith.constant 0 : i32
    %scan3A_3 = arith.constant 26 : i32
    %scan3A_4 = arith.addi %scan3A, %scan3A_3 : i32
    %scan3A_5 = arith.constant 1 : i32
    scf.for %scan3A_32 = %scan3A to %scan3A_4 step %scan3A_5  : i32 {
      %mul3A_33 = arith.constant 1 : i32
      %mul3A_34 = arith.muli %scan3A_32, %mul3A_33 : i32
      %add3A_35 = arith.constant 0 : i32
      %add3A_36 = arith.addi %add3A_35, %mul3A_34 : i32
      %add3A_37 = arith.addi %mul3A_2, %add3A_36 : i32
      %jit3A = arith.constant 32 : i32
      %div3A = arith.divsi %add3A_37, %jit3A : i32
      %sign3A = arith.constant 0 : i32
      %sign3A_38 = arith.cmpi sgt, %add3A_37, %sign3A : i32
      %sign3A_39 = arith.extui %sign3A_38 : i1 to i32
      %sign3A_40 = arith.constant 0 : i32
      %sign3A_41 = arith.cmpi slt, %add3A_37, %sign3A_40 : i32
      %sign3A_42 = arith.extui %sign3A_41 : i1 to i32
      %sign3A_43 = arith.subi %sign3A_39, %sign3A_42 : i32
      %sign3A_44 = arith.constant 0 : i32
      %sign3A_45 = arith.cmpi sgt, %jit3A, %sign3A_44 : i32
      %sign3A_46 = arith.extui %sign3A_45 : i1 to i32
      %sign3A_47 = arith.constant 0 : i32
      %sign3A_48 = arith.cmpi slt, %jit3A, %sign3A_47 : i32
      %sign3A_49 = arith.extui %sign3A_48 : i1 to i32
      %sign3A_50 = arith.subi %sign3A_46, %sign3A_49 : i32
      %ne3A = arith.cmpi ne, %sign3A_43, %sign3A_50 : i32
      %rem3A = arith.remsi %add3A_37, %jit3A : i32
      %ne3A_51 = arith.constant 0 : i32
      %ne3A_52 = arith.cmpi ne, %rem3A, %ne3A_51 : i32
      %and3A = arith.andi %ne3A, %ne3A_52 : i1
      %sub3A = arith.constant 1 : i32
      %sub3A_53 = arith.subi %div3A, %sub3A : i32
      %select_n3A = arith.select %and3A, %sub3A_53, %div3A : i32
      %add3A_54 = arith.constant 0 : i32
      %add3A_55 = arith.addi %add3A_54, %select_n3A : i32
      %jit3A_56 = arith.constant 32 : i32
      %eq3A = arith.constant 0 : i32
      %eq3A_57 = arith.cmpi eq, %jit3A_56, %eq3A : i32
      %jit3A_58 = arith.constant 1 : i32
      %select_n3A_59 = arith.select %eq3A_57, %jit3A_58, %jit3A_56 : i32
      %rem3A_60 = arith.remsi %add3A_37, %select_n3A_59 : i32
      %ne3A_61 = arith.constant 0 : i32
      %ne3A_62 = arith.cmpi ne, %rem3A_60, %ne3A_61 : i32
      %lt3A = arith.constant 0 : i32
      %lt3A_63 = arith.cmpi slt, %rem3A_60, %lt3A : i32
      %lt3A_64 = arith.constant 0 : i32
      %lt3A_65 = arith.cmpi slt, %select_n3A_59, %lt3A_64 : i32
      %ne3A_66 = arith.xori %lt3A_63, %lt3A_65 : i1
      %and3A_67 = arith.andi %ne3A_66, %ne3A_62 : i1
      %add3A_68 = arith.addi %rem3A_60, %select_n3A_59 : i32
      %select_n3A_69 = arith.select %and3A_67, %add3A_68, %rem3A_60 : i32
      %eq3A_70 = arith.constant 0 : i32
      %eq3A_71 = arith.cmpi eq, %add3A_36, %eq3A_70 : i32
      %eq3A_72 = arith.constant 0 : i32
      %eq3A_73 = arith.cmpi eq, %select_n3A_69, %eq3A_72 : i32
      %or3A = arith.ori %eq3A_71, %eq3A_73 : i1
      %convert_element_type3A = arith.extui %or3A : i1 to i32
      %cond3A = arith.constant 0 : i32
      %cond3A_74 = arith.cmpi ne, %convert_element_type3A, %cond3A : i32
      scf.if %cond3A_74 {
        "tpu.region"() ({
          %run_scoped3A = tpu.sem_alloc : memref<!tpu.dma_semaphore, #tpu.memory_space<semaphore_mem>>
          %dma_start3A_184 = arith.constant 0 : i32
          %dma_start3A_185 = tpu.memref_slice %arg3[%add3A_55, %dma_start3A_184] : memref<26x16384xi32, #tpu.memory_space<hbm>> -> memref<1x16384xi32, #tpu.memory_space<hbm>>
          %dma_start3A_186 = tpu.memref_squeeze %dma_start3A_185 : memref<1x16384xi32, #tpu.memory_space<hbm>> -> memref<16384xi32, #tpu.memory_space<hbm>>
          %dma_start3A_187 = arith.constant 0 : i32
          %dma_start3A_188 = tpu.memref_slice %arg3[%add3A_55, %dma_start3A_187] : memref<26x16384xi32, #tpu.memory_space<hbm>> -> memref<1x16384xi32, #tpu.memory_space<hbm>>
          %dma_start3A_189 = tpu.memref_squeeze %dma_start3A_188 : memref<1x16384xi32, #tpu.memory_space<hbm>> -> memref<16384xi32, #tpu.memory_space<hbm>>
          tpu.enqueue_dma source(%dma_start3A_189 : memref<16384xi32, #tpu.memory_space<hbm>>) target(%arg6 : memref<16384xi32, #tpu.memory_space<vmem>>) target_semaphore(%run_scoped3A : memref<!tpu.dma_semaphore, #tpu.memory_space<semaphore_mem>>)
          %dma_wait3A_190 = arith.constant 0 : i32
          %dma_wait3A_191 = tpu.memref_slice %arg3[%add3A_55, %dma_wait3A_190] : memref<26x16384xi32, #tpu.memory_space<hbm>> -> memref<1x16384xi32, #tpu.memory_space<hbm>>
          %dma_wait3A_192 = tpu.memref_squeeze %dma_wait3A_191 : memref<1x16384xi32, #tpu.memory_space<hbm>> -> memref<16384xi32, #tpu.memory_space<hbm>>
          %dma_wait3A_193 = arith.constant 0 : i32
          %dma_wait3A_194 = tpu.memref_slice %arg3[%add3A_55, %dma_wait3A_193] : memref<26x16384xi32, #tpu.memory_space<hbm>> -> memref<1x16384xi32, #tpu.memory_space<hbm>>
          %dma_wait3A_195 = tpu.memref_squeeze %dma_wait3A_194 : memref<1x16384xi32, #tpu.memory_space<hbm>> -> memref<16384xi32, #tpu.memory_space<hbm>>
          tpu.wait_dma2 semaphore(%run_scoped3A : memref<!tpu.dma_semaphore, #tpu.memory_space<semaphore_mem>>) src(%dma_wait3A_195 : memref<16384xi32, #tpu.memory_space<hbm>>) dst(%arg6 : memref<16384xi32, #tpu.memory_space<vmem>>)
          tpu.yield
        }) : () -> ()
      } else {
      }
      %dma_start3A = arith.constant 0 : i32
      %dma_start3A_75 = tpu.memref_slice %arg2[%add3A_55, %select_n3A_69, %dma_start3A] : memref<26x32x100000xf32, #tpu.memory_space<hbm>> -> memref<1x1x100000xf32, #tpu.memory_space<hbm>>
      %dma_start3A_76 = tpu.memref_squeeze %dma_start3A_75 : memref<1x1x100000xf32, #tpu.memory_space<hbm>> -> memref<100000xf32, #tpu.memory_space<hbm>>
      %dma_start3A_77 = arith.constant 0 : i32
      %dma_start3A_78 = tpu.memref_slice %arg2[%add3A_55, %select_n3A_69, %dma_start3A_77] : memref<26x32x100000xf32, #tpu.memory_space<hbm>> -> memref<1x1x100000xf32, #tpu.memory_space<hbm>>
      %dma_start3A_79 = tpu.memref_squeeze %dma_start3A_78 : memref<1x1x100000xf32, #tpu.memory_space<hbm>> -> memref<100000xf32, #tpu.memory_space<hbm>>
      tpu.enqueue_dma source(%dma_start3A_79 : memref<100000xf32, #tpu.memory_space<hbm>>) target(%arg5 : memref<100000xf32, #tpu.memory_space<vmem>>) target_semaphore(%arg8 : memref<!tpu.dma_semaphore, #tpu.memory_space<semaphore_mem>>)
      %dma_wait3A_80 = arith.constant 0 : i32
      %dma_wait3A_81 = tpu.memref_slice %arg2[%add3A_55, %select_n3A_69, %dma_wait3A_80] : memref<26x32x100000xf32, #tpu.memory_space<hbm>> -> memref<1x1x100000xf32, #tpu.memory_space<hbm>>
      %dma_wait3A_82 = tpu.memref_squeeze %dma_wait3A_81 : memref<1x1x100000xf32, #tpu.memory_space<hbm>> -> memref<100000xf32, #tpu.memory_space<hbm>>
      %dma_wait3A_83 = arith.constant 0 : i32
      %dma_wait3A_84 = tpu.memref_slice %arg2[%add3A_55, %select_n3A_69, %dma_wait3A_83] : memref<26x32x100000xf32, #tpu.memory_space<hbm>> -> memref<1x1x100000xf32, #tpu.memory_space<hbm>>
      %dma_wait3A_85 = tpu.memref_squeeze %dma_wait3A_84 : memref<1x1x100000xf32, #tpu.memory_space<hbm>> -> memref<100000xf32, #tpu.memory_space<hbm>>
      tpu.wait_dma2 semaphore(%arg8 : memref<!tpu.dma_semaphore, #tpu.memory_space<semaphore_mem>>) src(%dma_wait3A_85 : memref<100000xf32, #tpu.memory_space<hbm>>) dst(%arg5 : memref<100000xf32, #tpu.memory_space<vmem>>)
      %mul3A_86 = arith.constant 4 : i32
      %mul3A_87 = arith.muli %add3A_36, %mul3A_86 : i32
      %add3A_88 = arith.constant 0 : i32
      %add3A_89 = arith.addi %mul3A_87, %add3A_88 : i32
      %ge3A = arith.constant 2 : i32
      %ge3A_90 = arith.cmpi sge, %add3A_89, %ge3A : i32
      %convert_element_type3A_91 = arith.extui %ge3A_90 : i1 to i32
      %cond3A_92 = arith.constant 0 : i32
      %cond3A_93 = arith.cmpi ne, %convert_element_type3A_91, %cond3A_92 : i32
      scf.if %cond3A_93 {
        %dma_wait3A_184 = arith.constant 0 : i32
        %dma_wait3A_185 = arith.constant 0 : i32
        %dma_wait3A_186 = tpu.memref_slice %arg7[%dma_wait3A_184, %dma_wait3A_185] : memref<2x4096xf32, #tpu.memory_space<vmem>> -> memref<1x4096xf32, #tpu.memory_space<vmem>>
        %dma_wait3A_187 = tpu.memref_squeeze %dma_wait3A_186 : memref<1x4096xf32, #tpu.memory_space<vmem>> -> memref<4096xf32, #tpu.memory_space<vmem>>
        %dma_wait3A_188 = arith.constant 0 : i32
        %dma_wait3A_189 = tpu.memref_slice %arg4[%add3A_37, %dma_wait3A_188] : memref<832x16384xf32, #tpu.memory_space<hbm>> -> memref<1x4096xf32, #tpu.memory_space<hbm>>
        %dma_wait3A_190 = tpu.memref_squeeze %dma_wait3A_189 : memref<1x4096xf32, #tpu.memory_space<hbm>> -> memref<4096xf32, #tpu.memory_space<hbm>>
        %dma_wait3A_191 = arith.constant 0 : i32
        %dma_wait3A_192 = tpu.memref_slice %arg4[%add3A_37, %dma_wait3A_191] : memref<832x16384xf32, #tpu.memory_space<hbm>> -> memref<1x4096xf32, #tpu.memory_space<hbm>>
        %dma_wait3A_193 = tpu.memref_squeeze %dma_wait3A_192 : memref<1x4096xf32, #tpu.memory_space<hbm>> -> memref<4096xf32, #tpu.memory_space<hbm>>
        %dma_wait3A_194 = arith.constant 0 : i32
        %dma_wait3A_195 = tpu.memref_slice %arg7[%dma_wait3A_184, %dma_wait3A_194] : memref<2x4096xf32, #tpu.memory_space<vmem>> -> memref<1x4096xf32, #tpu.memory_space<vmem>>
        %dma_wait3A_196 = tpu.memref_squeeze %dma_wait3A_195 : memref<1x4096xf32, #tpu.memory_space<vmem>> -> memref<4096xf32, #tpu.memory_space<vmem>>
        tpu.wait_dma2 semaphore(%arg9 : memref<!tpu.dma_semaphore, #tpu.memory_space<semaphore_mem>>) src(%dma_wait3A_196 : memref<4096xf32, #tpu.memory_space<vmem>>) dst(%dma_wait3A_193 : memref<4096xf32, #tpu.memory_space<hbm>>)
      } else {
      }
      %parallel_loop3A = arith.constant 0 : i32
      %parallel_loop3A_94 = arith.constant 256 : i32
      %parallel_loop3A_95 = arith.constant 1 : i32
      scf.for %parallel_loop3A_184 = %parallel_loop3A to %parallel_loop3A_94 step %parallel_loop3A_95  : i32 {
        %parallel_loop3A_185 = arith.constant 16 : i32
        %parallel_loop3A_186 = arith.muli %parallel_loop3A_184, %parallel_loop3A_185 : i32
        %parallel_loop3A_187 = arith.constant 0 : i32
        %parallel_loop3A_188 = arith.addi %parallel_loop3A_187, %parallel_loop3A_186 : i32
        %parallel_loop3A_189 = arith.index_cast %parallel_loop3A_188 : i32 to index
        %parallel_loop3A_190 = tpu.vector_load %arg6[%parallel_loop3A_189] {strides = array<i32>} : memref<16384xi32, #tpu.memory_space<vmem>>, vector<16xi32>,
        %parallel_loop3A_191 = tpu.vector_load_idx %arg5[%parallel_loop3A_190] : memref<100000xf32, #tpu.memory_space<vmem>>[vector<16xi32>], vector<16xf32>,
        %parallel_loop3A_192 = arith.constant 0 : i32
        %parallel_loop3A_193 = arith.index_cast %parallel_loop3A_192 : i32 to index
        %parallel_loop3A_194 = arith.index_cast %parallel_loop3A_186 : i32 to index
        %parallel_loop3A_195 = tpu.vector_load %arg7[%parallel_loop3A_193, %parallel_loop3A_194] {strides = array<i32>} : memref<2x4096xf32, #tpu.memory_space<vmem>>, vector<16xf32>,
        tpu.vector_store %arg7[%parallel_loop3A_193, %parallel_loop3A_194], %parallel_loop3A_191 {strides = array<i32>} : memref<2x4096xf32, #tpu.memory_space<vmem>>, vector<16xf32>,
      } {sc.loop_unroll_factor = 16 : i64, sc.parallel_access}
      %dma_start3A_96 = arith.constant 0 : i32
      %dma_start3A_97 = arith.constant 0 : i32
      %dma_start3A_98 = tpu.memref_slice %arg7[%dma_start3A_96, %dma_start3A_97] : memref<2x4096xf32, #tpu.memory_space<vmem>> -> memref<1x4096xf32, #tpu.memory_space<vmem>>
      %dma_start3A_99 = tpu.memref_squeeze %dma_start3A_98 : memref<1x4096xf32, #tpu.memory_space<vmem>> -> memref<4096xf32, #tpu.memory_space<vmem>>
      %dma_start3A_100 = arith.constant 0 : i32
      %dma_start3A_101 = tpu.memref_slice %arg4[%add3A_37, %dma_start3A_100] : memref<832x16384xf32, #tpu.memory_space<hbm>> -> memref<1x4096xf32, #tpu.memory_space<hbm>>
      %dma_start3A_102 = tpu.memref_squeeze %dma_start3A_101 : memref<1x4096xf32, #tpu.memory_space<hbm>> -> memref<4096xf32, #tpu.memory_space<hbm>>
      %dma_start3A_103 = arith.constant 0 : i32
      %dma_start3A_104 = tpu.memref_slice %arg4[%add3A_37, %dma_start3A_103] : memref<832x16384xf32, #tpu.memory_space<hbm>> -> memref<1x4096xf32, #tpu.memory_space<hbm>>
      %dma_start3A_105 = tpu.memref_squeeze %dma_start3A_104 : memref<1x4096xf32, #tpu.memory_space<hbm>> -> memref<4096xf32, #tpu.memory_space<hbm>>
      %dma_start3A_106 = arith.constant 0 : i32
      %dma_start3A_107 = tpu.memref_slice %arg7[%dma_start3A_96, %dma_start3A_106] : memref<2x4096xf32, #tpu.memory_space<vmem>> -> memref<1x4096xf32, #tpu.memory_space<vmem>>
      %dma_start3A_108 = tpu.memref_squeeze %dma_start3A_107 : memref<1x4096xf32, #tpu.memory_space<vmem>> -> memref<4096xf32, #tpu.memory_space<vmem>>
      tpu.enqueue_dma source(%dma_start3A_108 : memref<4096xf32, #tpu.memory_space<vmem>>) target(%dma_start3A_105 : memref<4096xf32, #tpu.memory_space<hbm>>) target_semaphore(%arg9 : memref<!tpu.dma_semaphore, #tpu.memory_space<semaphore_mem>>)
      %mul3A_109 = arith.constant 4 : i32
      %mul3A_110 = arith.muli %add3A_36, %mul3A_109 : i32
      %add3A_111 = arith.constant 1 : i32
      %add3A_112 = arith.addi %mul3A_110, %add3A_111 : i32
      %ge3A_113 = arith.constant 2 : i32
      %ge3A_114 = arith.cmpi sge, %add3A_112, %ge3A_113 : i32
      %convert_element_type3A_115 = arith.extui %ge3A_114 : i1 to i32
      %cond3A_116 = arith.constant 0 : i32
      %cond3A_117 = arith.cmpi ne, %convert_element_type3A_115, %cond3A_116 : i32
      scf.if %cond3A_117 {
        %dma_wait3A_184 = arith.constant 1 : i32
        %dma_wait3A_185 = arith.constant 0 : i32
        %dma_wait3A_186 = tpu.memref_slice %arg7[%dma_wait3A_184, %dma_wait3A_185] : memref<2x4096xf32, #tpu.memory_space<vmem>> -> memref<1x4096xf32, #tpu.memory_space<vmem>>
        %dma_wait3A_187 = tpu.memref_squeeze %dma_wait3A_186 : memref<1x4096xf32, #tpu.memory_space<vmem>> -> memref<4096xf32, #tpu.memory_space<vmem>>
        %dma_wait3A_188 = arith.constant 4096 : i32
        %dma_wait3A_189 = tpu.memref_slice %arg4[%add3A_37, %dma_wait3A_188] : memref<832x16384xf32, #tpu.memory_space<hbm>> -> memref<1x4096xf32, #tpu.memory_space<hbm>>
        %dma_wait3A_190 = tpu.memref_squeeze %dma_wait3A_189 : memref<1x4096xf32, #tpu.memory_space<hbm>> -> memref<4096xf32, #tpu.memory_space<hbm>>
        %dma_wait3A_191 = arith.constant 4096 : i32
        %dma_wait3A_192 = tpu.memref_slice %arg4[%add3A_37, %dma_wait3A_191] : memref<832x16384xf32, #tpu.memory_space<hbm>> -> memref<1x4096xf32, #tpu.memory_space<hbm>>
        %dma_wait3A_193 = tpu.memref_squeeze %dma_wait3A_192 : memref<1x4096xf32, #tpu.memory_space<hbm>> -> memref<4096xf32, #tpu.memory_space<hbm>>
        %dma_wait3A_194 = arith.constant 0 : i32
        %dma_wait3A_195 = tpu.memref_slice %arg7[%dma_wait3A_184, %dma_wait3A_194] : memref<2x4096xf32, #tpu.memory_space<vmem>> -> memref<1x4096xf32, #tpu.memory_space<vmem>>
        %dma_wait3A_196 = tpu.memref_squeeze %dma_wait3A_195 : memref<1x4096xf32, #tpu.memory_space<vmem>> -> memref<4096xf32, #tpu.memory_space<vmem>>
        tpu.wait_dma2 semaphore(%arg10 : memref<!tpu.dma_semaphore, #tpu.memory_space<semaphore_mem>>) src(%dma_wait3A_196 : memref<4096xf32, #tpu.memory_space<vmem>>) dst(%dma_wait3A_193 : memref<4096xf32, #tpu.memory_space<hbm>>)
      } else {
      }
      %parallel_loop3A_118 = arith.constant 0 : i32
      %parallel_loop3A_119 = arith.constant 256 : i32
      %parallel_loop3A_120 = arith.constant 1 : i32
      scf.for %parallel_loop3A_184 = %parallel_loop3A_118 to %parallel_loop3A_119 step %parallel_loop3A_120  : i32 {
        %parallel_loop3A_185 = arith.constant 16 : i32
        %parallel_loop3A_186 = arith.muli %parallel_loop3A_184, %parallel_loop3A_185 : i32
        %parallel_loop3A_187 = arith.constant 4096 : i32
        %parallel_loop3A_188 = arith.addi %parallel_loop3A_187, %parallel_loop3A_186 : i32
        %parallel_loop3A_189 = arith.index_cast %parallel_loop3A_188 : i32 to index
        %parallel_loop3A_190 = tpu.vector_load %arg6[%parallel_loop3A_189] {strides = array<i32>} : memref<16384xi32, #tpu.memory_space<vmem>>, vector<16xi32>,
        %parallel_loop3A_191 = tpu.vector_load_idx %arg5[%parallel_loop3A_190] : memref<100000xf32, #tpu.memory_space<vmem>>[vector<16xi32>], vector<16xf32>,
        %parallel_loop3A_192 = arith.constant 1 : i32
        %parallel_loop3A_193 = arith.index_cast %parallel_loop3A_192 : i32 to index
        %parallel_loop3A_194 = arith.index_cast %parallel_loop3A_186 : i32 to index
        %parallel_loop3A_195 = tpu.vector_load %arg7[%parallel_loop3A_193, %parallel_loop3A_194] {strides = array<i32>} : memref<2x4096xf32, #tpu.memory_space<vmem>>, vector<16xf32>,
        tpu.vector_store %arg7[%parallel_loop3A_193, %parallel_loop3A_194], %parallel_loop3A_191 {strides = array<i32>} : memref<2x4096xf32, #tpu.memory_space<vmem>>, vector<16xf32>,
      } {sc.loop_unroll_factor = 16 : i64, sc.parallel_access}
      %dma_start3A_121 = arith.constant 1 : i32
      %dma_start3A_122 = arith.constant 0 : i32
      %dma_start3A_123 = tpu.memref_slice %arg7[%dma_start3A_121, %dma_start3A_122] : memref<2x4096xf32, #tpu.memory_space<vmem>> -> memref<1x4096xf32, #tpu.memory_space<vmem>>
      %dma_start3A_124 = tpu.memref_squeeze %dma_start3A_123 : memref<1x4096xf32, #tpu.memory_space<vmem>> -> memref<4096xf32, #tpu.memory_space<vmem>>
      %dma_start3A_125 = arith.constant 4096 : i32
      %dma_start3A_126 = tpu.memref_slice %arg4[%add3A_37, %dma_start3A_125] : memref<832x16384xf32, #tpu.memory_space<hbm>> -> memref<1x4096xf32, #tpu.memory_space<hbm>>
      %dma_start3A_127 = tpu.memref_squeeze %dma_start3A_126 : memref<1x4096xf32, #tpu.memory_space<hbm>> -> memref<4096xf32, #tpu.memory_space<hbm>>
      %dma_start3A_128 = arith.constant 4096 : i32
      %dma_start3A_129 = tpu.memref_slice %arg4[%add3A_37, %dma_start3A_128] : memref<832x16384xf32, #tpu.memory_space<hbm>> -> memref<1x4096xf32, #tpu.memory_space<hbm>>
      %dma_start3A_130 = tpu.memref_squeeze %dma_start3A_129 : memref<1x4096xf32, #tpu.memory_space<hbm>> -> memref<4096xf32, #tpu.memory_space<hbm>>
      %dma_start3A_131 = arith.constant 0 : i32
      %dma_start3A_132 = tpu.memref_slice %arg7[%dma_start3A_121, %dma_start3A_131] : memref<2x4096xf32, #tpu.memory_space<vmem>> -> memref<1x4096xf32, #tpu.memory_space<vmem>>
      %dma_start3A_133 = tpu.memref_squeeze %dma_start3A_132 : memref<1x4096xf32, #tpu.memory_space<vmem>> -> memref<4096xf32, #tpu.memory_space<vmem>>
      tpu.enqueue_dma source(%dma_start3A_133 : memref<4096xf32, #tpu.memory_space<vmem>>) target(%dma_start3A_130 : memref<4096xf32, #tpu.memory_space<hbm>>) target_semaphore(%arg10 : memref<!tpu.dma_semaphore, #tpu.memory_space<semaphore_mem>>)
      %mul3A_134 = arith.constant 4 : i32
      %mul3A_135 = arith.muli %add3A_36, %mul3A_134 : i32
      %add3A_136 = arith.constant 2 : i32
      %add3A_137 = arith.addi %mul3A_135, %add3A_136 : i32
      %ge3A_138 = arith.constant 2 : i32
      %ge3A_139 = arith.cmpi sge, %add3A_137, %ge3A_138 : i32
      %convert_element_type3A_140 = arith.extui %ge3A_139 : i1 to i32
      %cond3A_141 = arith.constant 0 : i32
      %cond3A_142 = arith.cmpi ne, %convert_element_type3A_140, %cond3A_141 : i32
      scf.if %cond3A_142 {
        %dma_wait3A_184 = arith.constant 0 : i32
        %dma_wait3A_185 = arith.constant 0 : i32
        %dma_wait3A_186 = tpu.memref_slice %arg7[%dma_wait3A_184, %dma_wait3A_185] : memref<2x4096xf32, #tpu.memory_space<vmem>> -> memref<1x4096xf32, #tpu.memory_space<vmem>>
        %dma_wait3A_187 = tpu.memref_squeeze %dma_wait3A_186 : memref<1x4096xf32, #tpu.memory_space<vmem>> -> memref<4096xf32, #tpu.memory_space<vmem>>
        %dma_wait3A_188 = arith.constant 8192 : i32
        %dma_wait3A_189 = tpu.memref_slice %arg4[%add3A_37, %dma_wait3A_188] : memref<832x16384xf32, #tpu.memory_space<hbm>> -> memref<1x4096xf32, #tpu.memory_space<hbm>>
        %dma_wait3A_190 = tpu.memref_squeeze %dma_wait3A_189 : memref<1x4096xf32, #tpu.memory_space<hbm>> -> memref<4096xf32, #tpu.memory_space<hbm>>
        %dma_wait3A_191 = arith.constant 8192 : i32
        %dma_wait3A_192 = tpu.memref_slice %arg4[%add3A_37, %dma_wait3A_191] : memref<832x16384xf32, #tpu.memory_space<hbm>> -> memref<1x4096xf32, #tpu.memory_space<hbm>>
        %dma_wait3A_193 = tpu.memref_squeeze %dma_wait3A_192 : memref<1x4096xf32, #tpu.memory_space<hbm>> -> memref<4096xf32, #tpu.memory_space<hbm>>
        %dma_wait3A_194 = arith.constant 0 : i32
        %dma_wait3A_195 = tpu.memref_slice %arg7[%dma_wait3A_184, %dma_wait3A_194] : memref<2x4096xf32, #tpu.memory_space<vmem>> -> memref<1x4096xf32, #tpu.memory_space<vmem>>
        %dma_wait3A_196 = tpu.memref_squeeze %dma_wait3A_195 : memref<1x4096xf32, #tpu.memory_space<vmem>> -> memref<4096xf32, #tpu.memory_space<vmem>>
        tpu.wait_dma2 semaphore(%arg9 : memref<!tpu.dma_semaphore, #tpu.memory_space<semaphore_mem>>) src(%dma_wait3A_196 : memref<4096xf32, #tpu.memory_space<vmem>>) dst(%dma_wait3A_193 : memref<4096xf32, #tpu.memory_space<hbm>>)
      } else {
      }
      %parallel_loop3A_143 = arith.constant 0 : i32
      %parallel_loop3A_144 = arith.constant 256 : i32
      %parallel_loop3A_145 = arith.constant 1 : i32
      scf.for %parallel_loop3A_184 = %parallel_loop3A_143 to %parallel_loop3A_144 step %parallel_loop3A_145  : i32 {
        %parallel_loop3A_185 = arith.constant 16 : i32
        %parallel_loop3A_186 = arith.muli %parallel_loop3A_184, %parallel_loop3A_185 : i32
        %parallel_loop3A_187 = arith.constant 8192 : i32
        %parallel_loop3A_188 = arith.addi %parallel_loop3A_187, %parallel_loop3A_186 : i32
        %parallel_loop3A_189 = arith.index_cast %parallel_loop3A_188 : i32 to index
        %parallel_loop3A_190 = tpu.vector_load %arg6[%parallel_loop3A_189] {strides = array<i32>} : memref<16384xi32, #tpu.memory_space<vmem>>, vector<16xi32>,
        %parallel_loop3A_191 = tpu.vector_load_idx %arg5[%parallel_loop3A_190] : memref<100000xf32, #tpu.memory_space<vmem>>[vector<16xi32>], vector<16xf32>,
        %parallel_loop3A_192 = arith.constant 0 : i32
        %parallel_loop3A_193 = arith.index_cast %parallel_loop3A_192 : i32 to index
        %parallel_loop3A_194 = arith.index_cast %parallel_loop3A_186 : i32 to index
        %parallel_loop3A_195 = tpu.vector_load %arg7[%parallel_loop3A_193, %parallel_loop3A_194] {strides = array<i32>} : memref<2x4096xf32, #tpu.memory_space<vmem>>, vector<16xf32>,
        tpu.vector_store %arg7[%parallel_loop3A_193, %parallel_loop3A_194], %parallel_loop3A_191 {strides = array<i32>} : memref<2x4096xf32, #tpu.memory_space<vmem>>, vector<16xf32>,
      } {sc.loop_unroll_factor = 16 : i64, sc.parallel_access}
      %dma_start3A_146 = arith.constant 0 : i32
      %dma_start3A_147 = arith.constant 0 : i32
      %dma_start3A_148 = tpu.memref_slice %arg7[%dma_start3A_146, %dma_start3A_147] : memref<2x4096xf32, #tpu.memory_space<vmem>> -> memref<1x4096xf32, #tpu.memory_space<vmem>>
      %dma_start3A_149 = tpu.memref_squeeze %dma_start3A_148 : memref<1x4096xf32, #tpu.memory_space<vmem>> -> memref<4096xf32, #tpu.memory_space<vmem>>
      %dma_start3A_150 = arith.constant 8192 : i32
      %dma_start3A_151 = tpu.memref_slice %arg4[%add3A_37, %dma_start3A_150] : memref<832x16384xf32, #tpu.memory_space<hbm>> -> memref<1x4096xf32, #tpu.memory_space<hbm>>
      %dma_start3A_152 = tpu.memref_squeeze %dma_start3A_151 : memref<1x4096xf32, #tpu.memory_space<hbm>> -> memref<4096xf32, #tpu.memory_space<hbm>>
      %dma_start3A_153 = arith.constant 8192 : i32
      %dma_start3A_154 = tpu.memref_slice %arg4[%add3A_37, %dma_start3A_153] : memref<832x16384xf32, #tpu.memory_space<hbm>> -> memref<1x4096xf32, #tpu.memory_space<hbm>>
      %dma_start3A_155 = tpu.memref_squeeze %dma_start3A_154 : memref<1x4096xf32, #tpu.memory_space<hbm>> -> memref<4096xf32, #tpu.memory_space<hbm>>
      %dma_start3A_156 = arith.constant 0 : i32
      %dma_start3A_157 = tpu.memref_slice %arg7[%dma_start3A_146, %dma_start3A_156] : memref<2x4096xf32, #tpu.memory_space<vmem>> -> memref<1x4096xf32, #tpu.memory_space<vmem>>
      %dma_start3A_158 = tpu.memref_squeeze %dma_start3A_157 : memref<1x4096xf32, #tpu.memory_space<vmem>> -> memref<4096xf32, #tpu.memory_space<vmem>>
      tpu.enqueue_dma source(%dma_start3A_158 : memref<4096xf32, #tpu.memory_space<vmem>>) target(%dma_start3A_155 : memref<4096xf32, #tpu.memory_space<hbm>>) target_semaphore(%arg9 : memref<!tpu.dma_semaphore, #tpu.memory_space<semaphore_mem>>)
      %mul3A_159 = arith.constant 4 : i32
      %mul3A_160 = arith.muli %add3A_36, %mul3A_159 : i32
      %add3A_161 = arith.constant 3 : i32
      %add3A_162 = arith.addi %mul3A_160, %add3A_161 : i32
      %ge3A_163 = arith.constant 2 : i32
      %ge3A_164 = arith.cmpi sge, %add3A_162, %ge3A_163 : i32
      %convert_element_type3A_165 = arith.extui %ge3A_164 : i1 to i32
      %cond3A_166 = arith.constant 0 : i32
      %cond3A_167 = arith.cmpi ne, %convert_element_type3A_165, %cond3A_166 : i32
      scf.if %cond3A_167 {
        %dma_wait3A_184 = arith.constant 1 : i32
        %dma_wait3A_185 = arith.constant 0 : i32
        %dma_wait3A_186 = tpu.memref_slice %arg7[%dma_wait3A_184, %dma_wait3A_185] : memref<2x4096xf32, #tpu.memory_space<vmem>> -> memref<1x4096xf32, #tpu.memory_space<vmem>>
        %dma_wait3A_187 = tpu.memref_squeeze %dma_wait3A_186 : memref<1x4096xf32, #tpu.memory_space<vmem>> -> memref<4096xf32, #tpu.memory_space<vmem>>
        %dma_wait3A_188 = arith.constant 12288 : i32
        %dma_wait3A_189 = tpu.memref_slice %arg4[%add3A_37, %dma_wait3A_188] : memref<832x16384xf32, #tpu.memory_space<hbm>> -> memref<1x4096xf32, #tpu.memory_space<hbm>>
        %dma_wait3A_190 = tpu.memref_squeeze %dma_wait3A_189 : memref<1x4096xf32, #tpu.memory_space<hbm>> -> memref<4096xf32, #tpu.memory_space<hbm>>
        %dma_wait3A_191 = arith.constant 12288 : i32
        %dma_wait3A_192 = tpu.memref_slice %arg4[%add3A_37, %dma_wait3A_191] : memref<832x16384xf32, #tpu.memory_space<hbm>> -> memref<1x4096xf32, #tpu.memory_space<hbm>>
        %dma_wait3A_193 = tpu.memref_squeeze %dma_wait3A_192 : memref<1x4096xf32, #tpu.memory_space<hbm>> -> memref<4096xf32, #tpu.memory_space<hbm>>
        %dma_wait3A_194 = arith.constant 0 : i32
        %dma_wait3A_195 = tpu.memref_slice %arg7[%dma_wait3A_184, %dma_wait3A_194] : memref<2x4096xf32, #tpu.memory_space<vmem>> -> memref<1x4096xf32, #tpu.memory_space<vmem>>
        %dma_wait3A_196 = tpu.memref_squeeze %dma_wait3A_195 : memref<1x4096xf32, #tpu.memory_space<vmem>> -> memref<4096xf32, #tpu.memory_space<vmem>>
        tpu.wait_dma2 semaphore(%arg10 : memref<!tpu.dma_semaphore, #tpu.memory_space<semaphore_mem>>) src(%dma_wait3A_196 : memref<4096xf32, #tpu.memory_space<vmem>>) dst(%dma_wait3A_193 : memref<4096xf32, #tpu.memory_space<hbm>>)
      } else {
      }
      %parallel_loop3A_168 = arith.constant 0 : i32
      %parallel_loop3A_169 = arith.constant 256 : i32
      %parallel_loop3A_170 = arith.constant 1 : i32
      scf.for %parallel_loop3A_184 = %parallel_loop3A_168 to %parallel_loop3A_169 step %parallel_loop3A_170  : i32 {
        %parallel_loop3A_185 = arith.constant 16 : i32
        %parallel_loop3A_186 = arith.muli %parallel_loop3A_184, %parallel_loop3A_185 : i32
        %parallel_loop3A_187 = arith.constant 12288 : i32
        %parallel_loop3A_188 = arith.addi %parallel_loop3A_187, %parallel_loop3A_186 : i32
        %parallel_loop3A_189 = arith.index_cast %parallel_loop3A_188 : i32 to index
        %parallel_loop3A_190 = tpu.vector_load %arg6[%parallel_loop3A_189] {strides = array<i32>} : memref<16384xi32, #tpu.memory_space<vmem>>, vector<16xi32>,
        %parallel_loop3A_191 = tpu.vector_load_idx %arg5[%parallel_loop3A_190] : memref<100000xf32, #tpu.memory_space<vmem>>[vector<16xi32>], vector<16xf32>,
        %parallel_loop3A_192 = arith.constant 1 : i32
        %parallel_loop3A_193 = arith.index_cast %parallel_loop3A_192 : i32 to index
        %parallel_loop3A_194 = arith.index_cast %parallel_loop3A_186 : i32 to index
        %parallel_loop3A_195 = tpu.vector_load %arg7[%parallel_loop3A_193, %parallel_loop3A_194] {strides = array<i32>} : memref<2x4096xf32, #tpu.memory_space<vmem>>, vector<16xf32>,
        tpu.vector_store %arg7[%parallel_loop3A_193, %parallel_loop3A_194], %parallel_loop3A_191 {strides = array<i32>} : memref<2x4096xf32, #tpu.memory_space<vmem>>, vector<16xf32>,
      } {sc.loop_unroll_factor = 16 : i64, sc.parallel_access}
      %dma_start3A_171 = arith.constant 1 : i32
      %dma_start3A_172 = arith.constant 0 : i32
      %dma_start3A_173 = tpu.memref_slice %arg7[%dma_start3A_171, %dma_start3A_172] : memref<2x4096xf32, #tpu.memory_space<vmem>> -> memref<1x4096xf32, #tpu.memory_space<vmem>>
      %dma_start3A_174 = tpu.memref_squeeze %dma_start3A_173 : memref<1x4096xf32, #tpu.memory_space<vmem>> -> memref<4096xf32, #tpu.memory_space<vmem>>
      %dma_start3A_175 = arith.constant 12288 : i32
      %dma_start3A_176 = tpu.memref_slice %arg4[%add3A_37, %dma_start3A_175] : memref<832x16384xf32, #tpu.memory_space<hbm>> -> memref<1x4096xf32, #tpu.memory_space<hbm>>
      %dma_start3A_177 = tpu.memref_squeeze %dma_start3A_176 : memref<1x4096xf32, #tpu.memory_space<hbm>> -> memref<4096xf32, #tpu.memory_space<hbm>>
      %dma_start3A_178 = arith.constant 12288 : i32
      %dma_start3A_179 = tpu.memref_slice %arg4[%add3A_37, %dma_start3A_178] : memref<832x16384xf32, #tpu.memory_space<hbm>> -> memref<1x4096xf32, #tpu.memory_space<hbm>>
      %dma_start3A_180 = tpu.memref_squeeze %dma_start3A_179 : memref<1x4096xf32, #tpu.memory_space<hbm>> -> memref<4096xf32, #tpu.memory_space<hbm>>
      %dma_start3A_181 = arith.constant 0 : i32
      %dma_start3A_182 = tpu.memref_slice %arg7[%dma_start3A_171, %dma_start3A_181] : memref<2x4096xf32, #tpu.memory_space<vmem>> -> memref<1x4096xf32, #tpu.memory_space<vmem>>
      %dma_start3A_183 = tpu.memref_squeeze %dma_start3A_182 : memref<1x4096xf32, #tpu.memory_space<vmem>> -> memref<4096xf32, #tpu.memory_space<vmem>>
      tpu.enqueue_dma source(%dma_start3A_183 : memref<4096xf32, #tpu.memory_space<vmem>>) target(%dma_start3A_180 : memref<4096xf32, #tpu.memory_space<hbm>>) target_semaphore(%arg10 : memref<!tpu.dma_semaphore, #tpu.memory_space<semaphore_mem>>)
    }
    %scan3A_6 = arith.constant 26 : i32
    %dma_wait3A = arith.constant 0 : i32
    %dma_wait3A_7 = arith.constant 0 : i32
    %dma_wait3A_8 = tpu.memref_slice %arg7[%dma_wait3A, %dma_wait3A_7] : memref<2x4096xf32, #tpu.memory_space<vmem>> -> memref<1x4096xf32, #tpu.memory_space<vmem>>
    %dma_wait3A_9 = tpu.memref_squeeze %dma_wait3A_8 : memref<1x4096xf32, #tpu.memory_space<vmem>> -> memref<4096xf32, #tpu.memory_space<vmem>>
    %dma_wait3A_10 = arith.constant 0 : i32
    %dma_wait3A_11 = tpu.memref_slice %arg4[%mul3A_2, %dma_wait3A_10] : memref<832x16384xf32, #tpu.memory_space<hbm>> -> memref<1x4096xf32, #tpu.memory_space<hbm>>
    %dma_wait3A_12 = tpu.memref_squeeze %dma_wait3A_11 : memref<1x4096xf32, #tpu.memory_space<hbm>> -> memref<4096xf32, #tpu.memory_space<hbm>>
    %dma_wait3A_13 = arith.constant 0 : i32
    %dma_wait3A_14 = tpu.memref_slice %arg4[%mul3A_2, %dma_wait3A_13] : memref<832x16384xf32, #tpu.memory_space<hbm>> -> memref<1x4096xf32, #tpu.memory_space<hbm>>
    %dma_wait3A_15 = tpu.memref_squeeze %dma_wait3A_14 : memref<1x4096xf32, #tpu.memory_space<hbm>> -> memref<4096xf32, #tpu.memory_space<hbm>>
    %dma_wait3A_16 = arith.constant 0 : i32
    %dma_wait3A_17 = tpu.memref_slice %arg7[%dma_wait3A, %dma_wait3A_16] : memref<2x4096xf32, #tpu.memory_space<vmem>> -> memref<1x4096xf32, #tpu.memory_space<vmem>>
    %dma_wait3A_18 = tpu.memref_squeeze %dma_wait3A_17 : memref<1x4096xf32, #tpu.memory_space<vmem>> -> memref<4096xf32, #tpu.memory_space<vmem>>
    tpu.wait_dma2 semaphore(%arg9 : memref<!tpu.dma_semaphore, #tpu.memory_space<semaphore_mem>>) src(%dma_wait3A_18 : memref<4096xf32, #tpu.memory_space<vmem>>) dst(%dma_wait3A_15 : memref<4096xf32, #tpu.memory_space<hbm>>)
    %dma_wait3A_19 = arith.constant 1 : i32
    %dma_wait3A_20 = arith.constant 0 : i32
    %dma_wait3A_21 = tpu.memref_slice %arg7[%dma_wait3A_19, %dma_wait3A_20] : memref<2x4096xf32, #tpu.memory_space<vmem>> -> memref<1x4096xf32, #tpu.memory_space<vmem>>
    %dma_wait3A_22 = tpu.memref_squeeze %dma_wait3A_21 : memref<1x4096xf32, #tpu.memory_space<vmem>> -> memref<4096xf32, #tpu.memory_space<vmem>>
    %dma_wait3A_23 = arith.constant 4096 : i32
    %dma_wait3A_24 = tpu.memref_slice %arg4[%mul3A_2, %dma_wait3A_23] : memref<832x16384xf32, #tpu.memory_space<hbm>> -> memref<1x4096xf32, #tpu.memory_space<hbm>>
    %dma_wait3A_25 = tpu.memref_squeeze %dma_wait3A_24 : memref<1x4096xf32, #tpu.memory_space<hbm>> -> memref<4096xf32, #tpu.memory_space<hbm>>
    %dma_wait3A_26 = arith.constant 4096 : i32
    %dma_wait3A_27 = tpu.memref_slice %arg4[%mul3A_2, %dma_wait3A_26] : memref<832x16384xf32, #tpu.memory_space<hbm>> -> memref<1x4096xf32, #tpu.memory_space<hbm>>
    %dma_wait3A_28 = tpu.memref_squeeze %dma_wait3A_27 : memref<1x4096xf32, #tpu.memory_space<hbm>> -> memref<4096xf32, #tpu.memory_space<hbm>>
    %dma_wait3A_29 = arith.constant 0 : i32
    %dma_wait3A_30 = tpu.memref_slice %arg7[%dma_wait3A_19, %dma_wait3A_29] : memref<2x4096xf32, #tpu.memory_space<vmem>> -> memref<1x4096xf32, #tpu.memory_space<vmem>>
    %dma_wait3A_31 = tpu.memref_squeeze %dma_wait3A_30 : memref<1x4096xf32, #tpu.memory_space<vmem>> -> memref<4096xf32, #tpu.memory_space<vmem>>
    tpu.wait_dma2 semaphore(%arg10 : memref<!tpu.dma_semaphore, #tpu.memory_space<semaphore_mem>>) src(%dma_wait3A_31 : memref<4096xf32, #tpu.memory_space<vmem>>) dst(%dma_wait3A_28 : memref<4096xf32, #tpu.memory_space<hbm>>)
    return
  }
}

module attributes {stable_mosaic.version = 14 : i64} {
  func.func @_mlp_body(%arg0: i32, %arg1: memref<832x1024xf32, #tpu.memory_space<vmem>>, %arg2: memref<832x128xf32, #tpu.memory_space<vmem>>, %arg3: memref<1x128xf32, #tpu.memory_space<vmem>>, %arg4: memref<128x128xf32, #tpu.memory_space<vmem>>, %arg5: memref<1x128xf32, #tpu.memory_space<vmem>>, %arg6: memref<1024x128xf32, #tpu.memory_space<vmem>>) attributes {dimension_semantics = [#tpu.dimension_semantics<parallel>], iteration_bounds = array<i64: 16>, scalar_prefetch = 0 : i64, scratch_operands = 0 : i64, tpu.core_type = #tpu.core_type<tc>, window_params = [{transform_indices = @transform_0, window_bounds = array<i64: 832, 1024>}, {pipeline_mode = #tpu.pipeline_mode<synchronous>, transform_indices = @transform_1, window_bounds = array<i64: 832, 128>}, {pipeline_mode = #tpu.pipeline_mode<synchronous>, transform_indices = @transform_2, window_bounds = array<i64: 1, 128>}, {pipeline_mode = #tpu.pipeline_mode<synchronous>, transform_indices = @transform_3, window_bounds = array<i64: 128, 128>}, {pipeline_mode = #tpu.pipeline_mode<synchronous>, transform_indices = @transform_4, window_bounds = array<i64: 1, 128>}, {transform_indices = @transform_5, window_bounds = array<i64: 1024, 128>}]} {
    %get3A = arith.constant 0 : index
    %get3A_0 = arith.constant 0 : index
    %get3A_1 = vector.load %arg1[%get3A, %get3A_0] : memref<832x1024xf32, #tpu.memory_space<vmem>>, vector<832x1024xf32>
    %get3A_2 = arith.constant 0 : index
    %get3A_3 = arith.constant 0 : index
    %get3A_4 = vector.load %arg2[%get3A_2, %get3A_3] : memref<832x128xf32, #tpu.memory_space<vmem>>, vector<832x128xf32>
    %dot_general3A = arith.constant dense<0.000000e+00> : vector<1024x128xf32>
    %dot_general3A_5 = tpu.matmul %get3A_1, %get3A_4, %dot_general3A {dimension_numbers = #tpu.dot_dimension_numbers<[0], [0], [1], [1], [0, 1, 1, 1], [], []>, transpose_lhs_hint = false} : vector<832x1024xf32>, vector<832x128xf32>, vector<1024x128xf32> -> vector<1024x128xf32>
    %get3A_6 = arith.constant 0 : index
    %get3A_7 = arith.constant 0 : index
    %get3A_8 = vector.load %arg3[%get3A_6, %get3A_7] : memref<1x128xf32, #tpu.memory_space<vmem>>, vector<1x128xf32>
    %add3A = vector.broadcast %get3A_8 : vector<1x128xf32> to vector<1024x128xf32>
    %add3A_9 = arith.addf %dot_general3A_5, %add3A : vector<1024x128xf32>
    %mul3A = arith.constant 5.000000e-01 : f32
    %mul3A_10 = vector.broadcast %mul3A : f32 to vector<1024x128xf32>
    %mul3A_11 = arith.mulf %mul3A_10, %add3A_9 : vector<1024x128xf32>
    %mul3A_12 = arith.constant 0.707106769 : f32
    %mul3A_13 = vector.broadcast %mul3A_12 : f32 to vector<1024x128xf32>
    %mul3A_14 = arith.mulf %add3A_9, %mul3A_13 : vector<1024x128xf32>
    %erf3A = math.erf %mul3A_14 : vector<1024x128xf32>
    %add3A_15 = arith.constant 1.000000e+00 : f32
    %add3A_16 = vector.broadcast %add3A_15 : f32 to vector<1024x128xf32>
    %add3A_17 = arith.addf %add3A_16, %erf3A : vector<1024x128xf32>
    %mul3A_18 = arith.mulf %mul3A_11, %add3A_17 : vector<1024x128xf32>
    %get3A_19 = arith.constant 0 : index
    %get3A_20 = arith.constant 0 : index
    %get3A_21 = vector.load %arg4[%get3A_19, %get3A_20] : memref<128x128xf32, #tpu.memory_space<vmem>>, vector<128x128xf32>
    %dot_general3A_22 = arith.constant dense<0.000000e+00> : vector<1024x128xf32>
    %dot_general3A_23 = tpu.matmul %mul3A_18, %get3A_21, %dot_general3A_22 {dimension_numbers = #tpu.dot_dimension_numbers<[1], [0], [0], [1], [0, 0, 1, 1], [], []>, transpose_lhs_hint = false} : vector<1024x128xf32>, vector<128x128xf32>, vector<1024x128xf32> -> vector<1024x128xf32>
    %get3A_24 = arith.constant 0 : index
    %get3A_25 = arith.constant 0 : index
    %get3A_26 = vector.load %arg5[%get3A_24, %get3A_25] : memref<1x128xf32, #tpu.memory_space<vmem>>, vector<1x128xf32>
    %add3A_27 = vector.broadcast %get3A_26 : vector<1x128xf32> to vector<1024x128xf32>
    %add3A_28 = arith.addf %dot_general3A_23, %add3A_27 : vector<1024x128xf32>
    %swap3A = arith.constant 0 : index
    %swap3A_29 = arith.constant 0 : index
    %swap3A_30 = vector.load %arg6[%swap3A, %swap3A_29] : memref<1024x128xf32, #tpu.memory_space<vmem>>, vector<1024x128xf32>
    tpu.vector_store %arg6[%swap3A, %swap3A_29], %add3A_28 {strides = array<i32>} : memref<1024x128xf32, #tpu.memory_space<vmem>>, vector<1024x128xf32>,
    return
  }
  func.func @transform_0(%arg0: i32) -> (i32, i32) {
    %c0_i32 = arith.constant 0 : i32
    %c0_i32_0 = arith.constant 0 : i32
    return %c0_i32, %arg0 : i32, i32
  }
  func.func @transform_1(%arg0: i32) -> (i32, i32) {
    %c0_i32 = arith.constant 0 : i32
    %c0_i32_0 = arith.constant 0 : i32
    %c0_i32_1 = arith.constant 0 : i32
    return %c0_i32, %c0_i32_0 : i32, i32
  }
  func.func @transform_2(%arg0: i32) -> (i32, i32) {
    %c0_i32 = arith.constant 0 : i32
    %c0_i32_0 = arith.constant 0 : i32
    %c0_i32_1 = arith.constant 0 : i32
    return %c0_i32, %c0_i32_0 : i32, i32
  }
  func.func @transform_3(%arg0: i32) -> (i32, i32) {
    %c0_i32 = arith.constant 0 : i32
    %c0_i32_0 = arith.constant 0 : i32
    %c0_i32_1 = arith.constant 0 : i32
    return %c0_i32, %c0_i32_0 : i32, i32
  }
  func.func @transform_4(%arg0: i32) -> (i32, i32) {
    %c0_i32 = arith.constant 0 : i32
    %c0_i32_0 = arith.constant 0 : i32
    %c0_i32_1 = arith.constant 0 : i32
    return %c0_i32, %c0_i32_0 : i32, i32
  }
  func.func @transform_5(%arg0: i32) -> (i32, i32) {
    %c0_i32 = arith.constant 0 : i32
    %c0_i32_0 = arith.constant 0 : i32
    return %arg0, %c0_i32 : i32, i32
  }
}

</mosaic_0001>

<sc_bundles>
// kernel: kernel.4.cloned.1.call-start
scs
__scs_entry_jumppad:
0x0: {  	(pc) =	sbr.rel $0x88, $3  }
0x1: {  	(tag) =	ssettag $0x0;
	lr =	simm.s32 $0x1  }
0x2: {  	[smem:$0x3F9B] =	sst lr;
	_ =	strace $0xD0000000  }
0x3: {  	_ = 	snop  }
0x4: {  	_ = 	snop  }
0x5: {  	_ = 	snop  }
0x6: {  	_ = 	snop  }
0x7: {  	_ = 	snop  }
__scs_overlays_trampoline_lowered:
0x8: {  	[smem:$0x3FAA] =	sst s0  }
0x9: {  	[smem:$0x3FAB] =	sst s1  }
0xa: {  	[smem:$0x3FAC] =	sst s2  }
0xb: {  	[smem:$0x3FAD] =	sst s3  }
0xc: {  	[smem:$0x3FAE] =	sst s4  }
0xd: {  	[smem:$0x3FAF] =	sst s5  }
0xe: {  	[smem:$0x3FB0] =	sst s6  }
0xf: {  	[smem:$0x3FB1] =	sst s7  }
0x10: {  	[smem:$0x3FB2] =	sst s8  }
0x11: {  	[smem:$0x3FB3] =	sst s9;
	s0 =	simm.s32 @!p0 $0x0  }
0x12: {  	s1 =	sld [smem:$0x3F99];
	s0 =	simm.s32 @p0 $0x1  }
0x13: {  	[smem:$0x3FB4] =	sst s0;
	s0 =	simm.s32 @!p1 $0x0  }
0x14: {  	s2 =	sld [smem:$0x3F98];
	s0 =	simm.s32 @p1 $0x1  }
0x15: {  	[smem:$0x3FB5] =	sst s0;
	s0 =	simm.s32 @!p2 $0x0  }
0x16: {  	s3 =	sld [smem:$0x3FDB];
	s0 =	simm.s32 @p2 $0x1  }
0x17: {  	s4 =	simm.s32 $0x1BF5;
	[smem:$0x3FB7] =	sst s0  }
0x18: {  	s0 =	sld [smem:$0x3F9A];
	_ =	swait.ge [sflag:s4], $0x0  }
0x19: {  	s7 =	sld [smem:$0x3F9B]  }
0x1a: {  	s8 =	sadd.s32 $0xFFFFE003, lr  }
0x1b: {  	s9 =	sadd.s32 $0xFFFFFEF7, lr;
	s5 =	simm.s32 $0xFFFFFFFF;
	p2 =	slt.u32 s8, $0xFFFFF086  }
0x1c: {  	p1 =	slt.u32 s9, $0xF7A;
	s5 =	simm.s32 @!p2 $0x0  }
0x1d: {  	s5 =	simm.s32 @p1 $0x1;
	p0 =	seq.s32 s7, s2  }
0x1e: {  	s7 =	smul.u32 @!p0 $0xF7A, s2;
	p2 =	seq.s32 @!p0 s5, $0x0  }
0x1f: {  	s9 =	smul.u32 $0xF7A, s1;
	s8 =	simm.s32 @!p0 $0x1BF5;
	p2 =	por !p2, p0  }
0x20: {  	[sflag:s8] =	ssyncset.s32 @!p0 $0xFFFFF086;
	s6 =	sadd.s32 @!p0 s3, s7;
	s7 =	simm.s32 @!p0 $0x108  }
0x21: {  	s3 =	sadd.s32 s3, s9;
	s6 =	sadd.s32 @!p0 $0x88, s6;
	s7 =	simm.s32 @p2 $0x1082  }
0x22: {  	[simem:s7], [sflag:s8] =	dma.local @!p0 [hbm:s6], $0xF7A  }
0x23: {  	s9 =	sor.u32 $0xD0000000, s2;
	s6 =	simm.s32 $0x108;
	_ =	swait.ge @!p0 [sflag:s8], $0x0  }
0x24: {  	s3 =	sadd.s32 $0x88, s3;
	s6 =	simm.s32 @!p1 $0x1082;
	[sflag:s4] =	ssyncset.s32 $0xFFFFF086  }
0x25: {  	[simem:s6], [sflag:s4] =	dma.local [hbm:s3], $0xF7A  }
0x26: {  	[smem:$0x3F9B] =	sst s1;
	(tag) =	ssettag s2;
	_ =	strace s9  }
0x27: {  	s1 =	sld [smem:$0x3FAB]  }
0x28: {  	s2 =	sld [smem:$0x3FAC]  }
0x29: {  	s4 =	sld [smem:$0x3FAE]  }
0x2a: {  	p0 =	seq.s32 s5, $0x0;
	s5 =	sld [smem:$0x3FAF]  }
0x2b: {  	s6 =	sld [smem:$0x3FB0]  }
0x2c: {  	s7 =	sld [smem:$0x3FB1]  }
0x2d: {  	s3 =	simm.s32 $0x108;
	s8 =	sld [smem:$0x3FB2]  }
0x2e: {  	s3 =	simm.s32 @!p0 $0x1082;
	s9 =	sld [smem:$0x3FB3]  }
0x2f: {  	lr =	sadd.s32 s0, s3;
	s0 =	sld [smem:$0x3FAA]  }
0x30: {  	s3 =	sld [smem:$0x3FAD]  }
0x31: {  	[smem:$0x3FB6] =	sst s10  }
0x32: {  	s10 =	sld [smem:$0x3FB4];
	_ =	sdelay $0x3  }
0x33: {  	p0 =	seq.s32 s10, $0x1;
	s10 =	sld [smem:$0x3FB6];
	_ =	sdelay $0x3  }
0x34: {  	[smem:$0x3FB6] =	sst s10  }
0x35: {  	s10 =	sld [smem:$0x3FB5];
	_ =	sdelay $0x3  }
0x36: {  	p1 =	seq.s32 s10, $0x1;
	s10 =	sld [smem:$0x3FB6];
	_ =	sdelay $0x3  }
0x37: {  	[smem:$0x3FB6] =	sst s10  }
0x38: {  	s10 =	sld [smem:$0x3FB7]  }
0x39: {  	_ = 	snop;
	(pc) =	sbr.ind lr, $3  }
0x3a: {  	_ = 	snop  }
0x3b: {  	_ = 	snop  }
0x3c: {  	p2 =	seq.s32 s10, $0x1;
	s10 =	sld [smem:$0x3FB6]  }
0x3d: {  	_ =	shalt  }
0x3e: {  	_ =	shalt  }
0x3f: {  	_ =	shalt  }
0x40: {  	_ =	shalt  }
0x41: {  	_ =	shalt  }
0x42: {  	_ =	shalt  }
0x43: {  	_ =	shalt  }
0x44: {  	_ =	shalt  }
0x45: {  	_ =	shalt  }
0x46: {  	_ =	shalt  }
0x47: {  	_ =	shalt  }
0x48: {  	_ =	shalt  }
0x49: {  	_ =	shalt  }
0x4a: {  	_ =	shalt  }
0x4b: {  	_ =	shalt  }
0x4c: {  	_ =	shalt  }
0x4d: {  	_ =	shalt  }
0x4e: {  	_ =	shalt  }
0x4f: {  	_ =	shalt  }
0x50: {  	_ =	shalt  }
0x51: {  	_ =	shalt  }
0x52: {  	_ =	shalt  }
0x53: {  	_ =	shalt  }
0x54: {  	_ =	shalt  }
0x55: {  	_ =	shalt  }
0x56: {  	_ =	shalt  }
0x57: {  	_ =	shalt  }
0x58: {  	_ =	shalt  }
0x59: {  	_ =	shalt  }
0x5a: {  	_ =	shalt  }
0x5b: {  	_ =	shalt  }
0x5c: {  	_ =	shalt  }
0x5d: {  	_ =	shalt  }
0x5e: {  	_ =	shalt  }
0x5f: {  	_ =	shalt  }
0x60: {  	_ =	shalt  }
0x61: {  	_ =	shalt  }
0x62: {  	_ =	shalt  }
0x63: {  	_ =	shalt  }
0x64: {  	_ =	shalt  }
0x65: {  	_ =	shalt  }
0x66: {  	_ =	shalt  }
0x67: {  	_ =	shalt  }
0x68: {  	_ =	shalt  }
0x69: {  	_ =	shalt  }
0x6a: {  	_ =	shalt  }
0x6b: {  	_ =	shalt  }
0x6c: {  	_ =	shalt  }
0x6d: {  	_ =	shalt  }
0x6e: {  	_ =	shalt  }
0x6f: {  	_ =	shalt  }
0x70: {  	_ =	shalt  }
0x71: {  	_ =	shalt  }
0x72: {  	_ =	shalt  }
0x73: {  	_ =	shalt  }
0x74: {  	_ =	shalt  }
0x75: {  	_ =	shalt  }
0x76: {  	_ =	shalt  }
0x77: {  	_ =	shalt  }
0x78: {  	_ =	shalt  }
0x79: {  	_ =	shalt  }
0x7a: {  	_ =	shalt  }
0x7b: {  	_ =	shalt  }
0x7c: {  	_ =	shalt  }
0x7d: {  	_ =	shalt  }
0x7e: {  	_ =	shalt  }
0x7f: {  	_ =	shalt  }
0x80: {  	_ =	shalt  }
0x81: {  	_ =	shalt  }
0x82: {  	_ =	shalt  }
0x83: {  	_ =	shalt  }
0x84: {  	_ =	shalt  }
0x85: {  	_ =	shalt  }
0x86: {  	_ =	shalt  }
0x87: {  	_ =	shalt  }
.Lfunc_end0:
.L_simem_size_0:
called_computation_lowered:
.L_overlay_start_0:
0x88: {  	s2 =	sld [smem:$0x3FD9]  }
0x89: {  	s3 =	sld [smem:$0x3FFE];
	_ =	sdelay $0x1  }
0x8a: {  	s1 =	srdreg.scid  }
0x8b: {  	s0 =	sand.u32 $0x1, s1  }
0x8c: {  	s17 =	sshll.u32 s0, $0xA;
	s2 =	sadd.s32 s3, s2  }
0x8d: {  	s2 =	sadd.s32 s2, s17  }
0x8e: {  	[smem:$0x3FC2] =	sst s2  }
0x8f: {  	_ = 	snop  }
0x90: {  	s2 =	sld [smem:$0x3FC9]  }
0x91: {  	s18 =	sld [smem:$0x3FC4];
	(tm) =	ssettm $0x1  }
0x92: {  	s4 =	sld [smem:$0x3FFB];
	_ =	sdelay $0x3  }
0x93: {  	_ =	strace s4  }
0x94: {  	s4 =	sld [smem:$0x3FFC];
	_ =	sdelay $0x3  }
0x95: {  	_ =	strace s4  }
0x96: {  	s4 =	sld [smem:$0x3FFD];
	_ =	sdelay $0x3  }
0x97: {  	_ =	strace s4  }
0x98: {  	_ =	strace $0x8FFFFFFF  }
0x99: {  	s19 =	sld [smem:$0x3FDB];
	_ =	sdelay $0x1  }
0x9a: {  	s5 =	simm.s32 $_scs_section_size  }
0x9b: {  	s6 =	simm.s32 $_size__tile_overlayer_lowered;
	s7 =	simm.s32 $_tile_overlayer_lowered  }
0x9c: {  	s22 =	simm.s32 $0x1BFF;
	s21 =	sshll.u32 s7, $0x1;
	s4 =	sadd.s32 s5, s19  }
0x9d: {  	s8 =	simm.s32 $0x0;
	s20 =	sshll.u32 s6, $0x1;
	s6 =	sadd.s32 s21, s4  }
0x9e: {  	[timem:s8], [sflag:s22] =	dma.local [hbm:s6], s20  }
0x9f: {  	_ =	swait.ge [sflag:s22], s20  }
0xa0: {  	s5 =	ssub.s32 $0x0, s20;
	[sflag:s22] =	ssyncset.done $0x0  }
0xa1: {  	[sflag:s22] =	ssyncadd.s32 s5;
	_ =	sdelay $0x1  }
0xa2: {  	s23 =	simm.s32 $0x1B8B  }
0xa3: {  	_ =	swait.ge [sflag:s23], $0x1  }
0xa4: {  	[sflag:s23] =	ssyncset.done $0x0  }
0xa5: {  	s25 =	simm.s32 $0x1B8E;
	s24 =	sld [smem:$0x3FFE];
	[sflag:s23] =	ssyncadd.s32 $0xFFFFFFFF  }
0xa6: {  	s26 =	simm.s32 $execute0_lowered;
	[smem:$0x3FD2] =	sst s25  }
0xa7: {  	s6 =	sshll.u32 s26, $0x1;
	_ =	strace $0x80000046;
	[dreg:$0x1] =	wrdreg $0xFFFFFFFF  }
0xa8: {  	s28 =	simm.s32 $_size_execute0_lowered;
	s4 =	sadd.s32 s4, s6;
	[dreg:$0x0] =	wrdreg $0x0  }
0xa9: {  	s6 =	sshll.u32 s28, $0x1;
	[dreg:$0x2] =	wrdreg s4  }
0xaa: {  	[dreg:$0x3] =	wrdreg s6  }
0xab: {  	[dreg:$0x4] =	wrdreg $0xC0  }
0xac: {  	_ =	task [dreg:s8], $0x5FFFF  }
0xad: {  	[dreg:$0x1] =	wrdreg $0xFFFFFFFF  }
0xae: {  	[dreg:$0x0] =	wrdreg $0x60  }
0xaf: {  	[dreg:$0x2] =	wrdreg s2  }
0xb0: {  	[dreg:$0x3] =	wrdreg s18  }
0xb1: {  	[dreg:$0x4] =	wrdreg s24  }
0xb2: {  	[dreg:$0x5] =	wrdreg $0x9  }
0xb3: {  	_ =	task.clear_ibuf [dreg:s8], $0x6FFFF;
	_ =	strace $0x90000046  }
0xb4: {  	s29 =	simm.s32 $0x9;
	_ =	strace $0x80000048  }
0xb5: {  	_ =	swait.ge [sflag:s29], $0x1  }
0xb6: {  	[sflag:s29] =	ssyncadd.s32 $0xFFFFFFFF  }
0xb7: {  	_ =	strace $0x90000048  }
0xb8: {  	_ =	sfence  }
0xb9: {  	s30 =	sld [smem:$0x0];
	_ =	sdelay $0x2  }
0xba: {  	s31 =	sshll.u32 s1, $0xD;
	s1 =	sshrl.u32 s1, $0x2  }
0xbb: {  	s3 =	sand.u32 $0x4000, s31;
	s1 =	sadd.s32 s1, s30  }
0xbc: {  	s0 =	sor.u32 s3, s0;
	s1 =	sshll.u32 s1, $0x11  }
0xbd: {  	s0 =	sor.u32 s1, s0  }
0xbe: {  	s0 =	sadd.s32 $0x8F2B, s0  }
0xbf: {  	[sflag:s0] =	ssyncadd.remote.s32 $0x1  }
0xc0: {  	_ =	sfence.sel $0xFFFF  }
0xc1: {  	[dreg:$0x0] =	wrdreg $0xFFFFFFFF;
	(pc) =	sbr.abs _section_cstart, $3  }
0xc2: {  	[dreg:$0x1] =	wrdreg $0xFFFFFFFF  }
0xc3: {  	_ =	task.clear_ibuf [dreg:s8], $0x2FFFF;
	_ =	strace $0x9FFFFFFF  }
0xc4: {  	(tm) =	ssettm $0x7FFFFFFF  }
0xc5: {  	_ =	shalt  }
tec
execute0_lowered:
.L_overlay_start_1:
0x0: {  	(tag) =	ssettag $0x1  }
0x1: {  	s1 =	rddreg [dreg:$0x0]  }
0x2: {  	s2 =	rddreg [dreg:$0x1]  }
0x3: {  	s9 =	rddreg [dreg:$0x2]  }
0x4: {  	s0 =	rddreg [dreg:$0x3];
	s5 =	srdreg.scid  }
0x5: {  	s4 =	simm.s32 $0x0;
	s3 =	stileid.u32;
	s11 =	simm.s32 $0x80  }
0x6: {  	s12 =	simm.s32 $0x400;
	s13 =	simm.s32 $0x18700;
	s14 =	simm.s32 $0x4  }
0x7: {  	s15 =	simm.s32 $0x1;
	s16 =	simm.s32 $0x2;
	s17 =	simm.s32 $0x3  }
0x8: {  	s18 =	simm.s32 $0x0;
	s5 =	sand.u32 $0x1, s5;
	[smem:$0x7FF] =	sst s4  }
0x9: {  	s7 =	sshll.u32 s3, $0x1;
	s6 =	ssub.s32 $0x2, s5;
	_ =	strace $0x80000047  }
0xa: {  	s7 =	sor.u32 s5, s7;
	s5 =	sadd.s32 $0xC00, s9;
	s8 =	sshrl.u32 s6, $0x1  }
0xb: {  	s10 =	ssub.s32 s6, s8;
	s6 =	smul.u32 $0x1A, s7;
	s7 =	sadd.s32 $0x1C00, s9  }
0xc: {  	s8 =	sadd.s32 $0x2C00, s9;
	s9 =	sadd.s32 $0x3C00, s9;
	s10 =	smax.u32 s10, $0x1  }
.LBB2_1:
0xd: {  	s19 =	simm.s32 $0x0  }
.LBB2_2:
0xe: {  	s20 =	sadd.s32 s6, s19  }
0xf: {  	p0 =	seq.s32 s19, $0x0;
	s21 =	sand.u32 $0x1F, s20  }
0x10: {  	p1 =	sne.s32 @!p0 s21, $0x0  }
0x11: {  	s22 =	sshrl.u32 s20, $0x5;
	p1 =	por p0, !p1  }
0x12: {  	s23 =	sshll.u32 @p1 s22, $0x4  }
0x13: {  	s24 =	sshll.u32 @p1 s22, $0xB;
	s23 =	sand.u32 @p1 $0x70, s23  }
0x14: {  	s24 =	sand.u32 @p1 $0xFFFC000, s24;
	s23 =	sadd.s32 @p1 s2, s23  }
0x15: {  	s30 =	sshrl.u32 s21, $0x3;
	s22 =	smul.u32 $0x30E000, s22;
	s23 =	sadd.s32 @p1 s24, s23  }
0x16: {  	[tilespmem:s13], [sflag:$0x4] =	stream.strided.gather @p1 [hbm4b:s23+s11], $0x4000, s12, s11, $0x38;
	[tilespmem:$0x1E700] =	vst v63  }
0x17: {  	s23 =	smul.u32 $0xC3800, s30  }
0x18: {  	s21 =	sshll.u32 s21, $0x7  }
0x19: {  	s21 =	sand.u32 $0x380, s21;
	s22 =	sadd.s32 s22, s23  }
0x1a: {  	_ =	swait.ge @p1 [sflag:s14], $0x4000;
	s21 =	sor.u32 s21, s22  }
0x1b: {  	[sflag:s14] =	ssyncset.done @p1 $0x0;
	s21 =	sshrl.u32 s21, $0x3  }
0x1c: {  	[sflag:s14] =	ssyncadd.s32 @p1 $0xFFFFC000;
	s21 =	sadd.s32 s1, s21  }
0x1d: {  	[tilespmem:s4], [sflag:$0x1] =	stream.strided.gather [hbm4b:s21+s11], $0x18700, s12, s11, $0x38;
	[tilespmem:$0x1E700] =	vst v63  }
0x1e: {  	_ =	swait.ge [sflag:s15], $0x18700  }
0x1f: {  	[sflag:s15] =	ssyncset.done $0x0  }
0x20: {  	s21 =	simm.s32 @!p0 $0x2;
	[sflag:s15] =	ssyncadd.s32 $0xFFFE7900  }
0x21: {  	_ =	swait.ge @!p0 [sflag:s21], $0x1000  }
0x22: {  	[sflag:s21] =	ssyncset.done @!p0 $0x0  }
0x23: {  	s31 =	simm.s32 $0x18780;
	[sflag:s21] =	ssyncadd.s32 @!p0 $0xFFFFF000  }
0x24: {  	v0 =	vld [tilespmem:s31+$0x70]  }
0x25: {  	v1 =	vld [tilespmem:s31+$0xFFFFFF90]  }
0x26: {  	v2 =	vld [tilespmem:s31+$0xFFFFFFA0]  }
0x27: {  	v3 =	vld [tilespmem:s31+$0xFFFFFFB0]  }
0x28: {  	v4 =	vld [tilespmem:s31+$0xFFFFFFC0]  }
0x29: {  	v5 =	vld [tilespmem:s31+$0xFFFFFFD0]  }
0x2a: {  	v6 =	vld [tilespmem:s31+$0xFFFFFFE0]  }
0x2b: {  	v7 =	vld [tilespmem:s31+$0xFFFFFFF0]  }
0x2c: {  	v8 =	vld [tilespmem:s31+$0x0]  }
0x2d: {  	v9 =	vld [tilespmem:s31+$0x10]  }
0x2e: {  	v10 =	vld [tilespmem:s31+$0x20]  }
0x2f: {  	v11 =	vld [tilespmem:s31+$0x30]  }
0x30: {  	v12 =	vld [tilespmem:s31+$0x40]  }
0x31: {  	v13 =	vld [tilespmem:s31+$0x50]  }
0x32: {  	v14 =	vld [tilespmem:s31+$0x60]  }
0x33: {  	v15 =	vld [tilespmem:s31+$0xFFFFFF80]  }
0x34: {  	v0 =	vld.idx.msk [tilespmem:v0+s4+$0x0], $0xffff  }
0x35: {  	v1 =	vld.idx.msk [tilespmem:v1+s4+$0x0], $0xffff  }
0x36: {  	v2 =	vld.idx.msk [tilespmem:v2+s4+$0x0], $0xffff  }
0x37: {  	v3 =	vld.idx.msk [tilespmem:v3+s4+$0x0], $0xffff  }
0x38: {  	v4 =	vld.idx.msk [tilespmem:v4+s4+$0x0], $0xffff  }
0x39: {  	s21 =	simm.s32 $0x1C800;
	v5 =	vld.idx.msk [tilespmem:v5+s4+$0x0], $0xffff  }
0x3a: {  	[tilespmem:s21+$0x70] =	vst v0;
	v0 =	vld.idx.msk [tilespmem:v6+s4+$0x0], $0xffff  }
0x3b: {  	[tilespmem:s21+$0xFFFFFF10] =	vst v1;
	v1 =	vld.idx.msk [tilespmem:v7+s4+$0x0], $0xffff  }
0x3c: {  	v6 =	vld.idx.msk [tilespmem:v15+s4+$0x0], $0xffff;
	[tilespmem:s21+$0xFFFFFF20] =	vst v2  }
0x3d: {  	[tilespmem:s21+$0xFFFFFF30] =	vst v3;
	v2 =	vld.idx.msk [tilespmem:v8+s4+$0x0], $0xffff  }
0x3e: {  	[tilespmem:s21+$0xFFFFFF40] =	vst v4;
	v4 =	vld.idx.msk [tilespmem:v9+s4+$0x0], $0xffff  }
0x3f: {  	[tilespmem:s21+$0xFFFFFF50] =	vst v5;
	v5 =	vld.idx.msk [tilespmem:v10+s4+$0x0], $0xffff  }
0x40: {  	v3 =	vld.idx.msk [tilespmem:v11+s4+$0x0], $0xffff;
	[tilespmem:s21+$0xFFFFFF60] =	vst v0  }
0x41: {  	[tilespmem:s21+$0xFFFFFF70] =	vst v1;
	v0 =	vld.idx.msk [tilespmem:v12+s4+$0x0], $0xffff  }
0x42: {  	[tilespmem:s21+$0xFFFFFF00] =	vst v6;
	v1 =	vld.idx.msk [tilespmem:v13+s4+$0x0], $0xffff  }
0x43: {  	s23 =	simm.s32 $0x18880;
	s22 =	simm.s32 $0x0;
	[tilespmem:s21+$0x0] =	vst v2;
	v2 =	vld.idx.msk [tilespmem:v14+s4+$0x0], $0xffff  }
.LBB2_3:
0x44: {  	v6 =	vld [tilespmem:s23+$0x70];
	s22 =	sadd.s32 $0x10, s22;
	[tilespmem:s21+$0x10] =	vst v4  }
0x45: {  	v4 =	vld [tilespmem:s23+$0xFFFFFF90];
	p1 =	slt.u32 s22, $0xF0;
	[tilespmem:s21+$0x20] =	vst v5  }
0x46: {  	v5 =	vld [tilespmem:s23+$0xFFFFFFA0];
	[tilespmem:s21+$0x30] =	vst v3  }
0x47: {  	v3 =	vld [tilespmem:s23+$0xFFFFFFB0];
	[tilespmem:s21+$0x40] =	vst v0  }
0x48: {  	v0 =	vld [tilespmem:s23+$0xFFFFFFC0];
	[tilespmem:s21+$0x50] =	vst v1  }
0x49: {  	v1 =	vld [tilespmem:s23+$0xFFFFFFD0];
	[tilespmem:s21+$0x60] =	vst v2  }
0x4a: {  	v2 =	vld [tilespmem:s23+$0xFFFFFFE0]  }
0x4b: {  	v7 =	vld [tilespmem:s23+$0xFFFFFFF0]  }
0x4c: {  	v6 =	vld.idx.msk [tilespmem:v6+s4+$0x0], $0xffff  }
0x4d: {  	v8 =	vld [tilespmem:s23+$0x0]  }
0x4e: {  	v9 =	vld [tilespmem:s23+$0x10]  }
0x4f: {  	v10 =	vld [tilespmem:s23+$0x20]  }
0x50: {  	v11 =	vld [tilespmem:s23+$0x30]  }
0x51: {  	s21 =	sadd.s32 $0x200, s21;
	v12 =	vld [tilespmem:s23+$0x40]  }
0x52: {  	v13 =	vld [tilespmem:s23+$0x50];
	[tilespmem:s21+$0x70] =	vst v6  }
0x53: {  	v6 =	vld [tilespmem:s23+$0x60]  }
0x54: {  	v14 =	vld [tilespmem:s23+$0xFFFFFF80]  }
0x55: {  	v4 =	vld.idx.msk [tilespmem:v4+s4+$0x0], $0xffff  }
0x56: {  	v5 =	vld.idx.msk [tilespmem:v5+s4+$0x0], $0xffff  }
0x57: {  	v3 =	vld.idx.msk [tilespmem:v3+s4+$0x0], $0xffff  }
0x58: {  	v0 =	vld.idx.msk [tilespmem:v0+s4+$0x0], $0xffff  }
0x59: {  	v1 =	vld.idx.msk [tilespmem:v1+s4+$0x0], $0xffff  }
0x5a: {  	v2 =	vld.idx.msk [tilespmem:v2+s4+$0x0], $0xffff  }
0x5b: {  	[tilespmem:s21+$0xFFFFFF10] =	vst v4;
	v7 =	vld.idx.msk [tilespmem:v7+s4+$0x0], $0xffff  }
0x5c: {  	v14 =	vld.idx.msk [tilespmem:v14+s4+$0x0], $0xffff;
	[tilespmem:s21+$0xFFFFFF20] =	vst v5  }
0x5d: {  	[tilespmem:s21+$0xFFFFFF30] =	vst v3;
	v8 =	vld.idx.msk [tilespmem:v8+s4+$0x0], $0xffff  }
0x5e: {  	[tilespmem:s21+$0xFFFFFF40] =	vst v0;
	v4 =	vld.idx.msk [tilespmem:v9+s4+$0x0], $0xffff  }
.Ltmp0:
0x5f: {  	[tilespmem:s21+$0xFFFFFF50] =	vst v1;
	v5 =	vld.idx.msk [tilespmem:v10+s4+$0x0], $0xffff;
	(pc) =	sbr.rel @p1 .LBB2_3-.Ltmp0, $4  }
0x60: {  	[tilespmem:s21+$0xFFFFFF60] =	vst v2;
	v3 =	vld.idx.msk [tilespmem:v11+s4+$0x0], $0xffff  }
0x61: {  	[tilespmem:s21+$0xFFFFFF70] =	vst v7;
	v0 =	vld.idx.msk [tilespmem:v12+s4+$0x0], $0xffff  }
0x62: {  	[tilespmem:s21+$0xFFFFFF00] =	vst v14;
	v1 =	vld.idx.msk [tilespmem:v13+s4+$0x0], $0xffff  }
0x63: {  	s23 =	sadd.s32 $0x100, s23;
	[tilespmem:s21+$0x0] =	vst v8;
	v2 =	vld.idx.msk [tilespmem:v6+s4+$0x0], $0xffff  }
0x64: {  	[tilespmem:s21+$0x10] =	vst v4  }
0x65: {  	[tilespmem:s21+$0x20] =	vst v5;
	s22 =	sshll.u32 s20, $0xB;
	s31 =	sshll.u32 s20, $0x4  }
0x66: {  	[tilespmem:s21+$0x30] =	vst v3;
	s22 =	sand.u32 $0xFFFC000, s22;
	s20 =	sand.u32 $0x70, s31  }
0x67: {  	[tilespmem:s21+$0x40] =	vst v0;
	s20 =	sor.u32 s20, s22  }
0x68: {  	s23 =	simm.s32 $0x1C700;
	[tilespmem:s21+$0x50] =	vst v1;
	s22 =	sadd.s32 s5, s20  }
0x69: {  	s24 =	simm.s32 $0x1C800;
	[tilespmem:s21+$0x60] =	vst v2;
	s21 =	simm.s32 $0x80;
	s25 =	sadd.s32 $0x0, s22  }
.LBB2_5:
0x6a: {  	[hbm4b:s25+s4] =	stream.linear.scatter [tilespmem:s23], [sflag:$0x2], $0x80, $0x38;
	[tilespmem:$0x1E700] =	vst v63  }
0x6b: {  	s25 =	smov.u32 s21;
	s23 =	smov.u32 s24;
	p1 =	sne.s32 s21, $0xF80  }
.Ltmp1:
0x6c: {  	s21 =	sadd.s32 $0x80, s21;
	(pc) =	sbr.rel @p1 .LBB2_5-.Ltmp1, $2  }
0x6d: {  	_ =	sdelay $0x2  }
0x6e: {  	s24 =	sadd.s32 $0x100, s24;
	s25 =	sadd.s32 s25, s22  }
0x6f: {  	[hbm4b:s25+s4] =	stream.linear.scatter [tilespmem:s23], [sflag:$0x2], $0x80, $0x38;
	[tilespmem:$0x1E700] =	vst v63  }
0x70: {  	s21 =	simm.s32 @!p0 $0x3  }
0x71: {  	_ =	swait.ge @!p0 [sflag:s21], $0x1000  }
0x72: {  	[sflag:s21] =	ssyncset.done @!p0 $0x0  }
0x73: {  	s31 =	simm.s32 $0x197F0;
	[sflag:s21] =	ssyncadd.s32 @!p0 $0xFFFFF000  }
0x74: {  	v0 =	vld [tilespmem:s31+$0x0]  }
0x75: {  	v1 =	vld [tilespmem:s31+$0xFFFFFF20]  }
0x76: {  	v2 =	vld [tilespmem:s31+$0xFFFFFF30]  }
0x77: {  	v3 =	vld [tilespmem:s31+$0xFFFFFF40]  }
0x78: {  	v4 =	vld [tilespmem:s31+$0xFFFFFF50]  }
0x79: {  	v5 =	vld [tilespmem:s31+$0xFFFFFF60]  }
0x7a: {  	v6 =	vld [tilespmem:s31+$0xFFFFFF70]  }
0x7b: {  	v7 =	vld [tilespmem:s31+$0xFFFFFF80]  }
0x7c: {  	v8 =	vld [tilespmem:s31+$0xFFFFFF90]  }
0x7d: {  	v9 =	vld [tilespmem:s31+$0xFFFFFFA0]  }
0x7e: {  	v10 =	vld [tilespmem:s31+$0xFFFFFFB0]  }
0x7f: {  	v11 =	vld [tilespmem:s31+$0xFFFFFFC0]  }
0x80: {  	v12 =	vld [tilespmem:s31+$0xFFFFFFD0]  }
0x81: {  	v13 =	vld [tilespmem:s31+$0xFFFFFFE0]  }
0x82: {  	v14 =	vld [tilespmem:s31+$0xFFFFFFF0]  }
0x83: {  	v15 =	vld [tilespmem:s31+$0xFFFFFF10]  }
0x84: {  	v0 =	vld.idx.msk [tilespmem:v0+s4+$0x0], $0xffff  }
0x85: {  	v1 =	vld.idx.msk [tilespmem:v1+s4+$0x0], $0xffff  }
0x86: {  	v2 =	vld.idx.msk [tilespmem:v2+s4+$0x0], $0xffff  }
0x87: {  	v3 =	vld.idx.msk [tilespmem:v3+s4+$0x0], $0xffff  }
0x88: {  	v4 =	vld.idx.msk [tilespmem:v4+s4+$0x0], $0xffff  }
0x89: {  	s21 =	simm.s32 $0x1C880;
	v5 =	vld.idx.msk [tilespmem:v5+s4+$0x0], $0xffff  }
0x8a: {  	v6 =	vld.idx.msk [tilespmem:v6+s4+$0x0], $0xffff;
	[tilespmem:s21+$0x70] =	vst v0  }
0x8b: {  	v7 =	vld.idx.msk [tilespmem:v7+s4+$0x0], $0xffff;
	[tilespmem:s21+$0xFFFFFF10] =	vst v1  }
0x8c: {  	v15 =	vld.idx.msk [tilespmem:v15+s4+$0x0], $0xffff;
	[tilespmem:s21+$0xFFFFFF20] =	vst v2  }
0x8d: {  	v8 =	vld.idx.msk [tilespmem:v8+s4+$0x0], $0xffff;
	[tilespmem:s21+$0xFFFFFF30] =	vst v3  }
0x8e: {  	[tilespmem:s21+$0xFFFFFF40] =	vst v4;
	v0 =	vld.idx.msk [tilespmem:v9+s4+$0x0], $0xffff  }
0x8f: {  	[tilespmem:s21+$0xFFFFFF50] =	vst v5;
	v1 =	vld.idx.msk [tilespmem:v10+s4+$0x0], $0xffff  }
0x90: {  	[tilespmem:s21+$0xFFFFFF60] =	vst v6;
	v2 =	vld.idx.msk [tilespmem:v11+s4+$0x0], $0xffff  }
0x91: {  	[tilespmem:s21+$0xFFFFFF70] =	vst v7;
	v3 =	vld.idx.msk [tilespmem:v12+s4+$0x0], $0xffff  }
0x92: {  	[tilespmem:s21+$0xFFFFFF00] =	vst v15;
	v4 =	vld.idx.msk [tilespmem:v13+s4+$0x0], $0xffff  }
0x93: {  	s22 =	simm.s32 $0x0;
	s23 =	simm.s32 $0x198F0;
	[tilespmem:s21+$0x0] =	vst v8;
	v5 =	vld.idx.msk [tilespmem:v14+s4+$0x0], $0xffff  }
.LBB2_7:
0x94: {  	v6 =	vld [tilespmem:s23+$0x0];
	s22 =	sadd.s32 $0x10, s22;
	[tilespmem:s21+$0x10] =	vst v0  }
0x95: {  	v0 =	vld [tilespmem:s23+$0xFFFFFF20];
	p0 =	slt.u32 s22, $0xF0;
	[tilespmem:s21+$0x20] =	vst v1  }
0x96: {  	v1 =	vld [tilespmem:s23+$0xFFFFFF30];
	[tilespmem:s21+$0x30] =	vst v2  }
0x97: {  	v2 =	vld [tilespmem:s23+$0xFFFFFF40];
	[tilespmem:s21+$0x40] =	vst v3  }
0x98: {  	v3 =	vld [tilespmem:s23+$0xFFFFFF50];
	[tilespmem:s21+$0x50] =	vst v4  }
0x99: {  	v4 =	vld [tilespmem:s23+$0xFFFFFF60];
	[tilespmem:s21+$0x60] =	vst v5  }
0x9a: {  	v5 =	vld [tilespmem:s23+$0xFFFFFF70]  }
0x9b: {  	v7 =	vld [tilespmem:s23+$0xFFFFFF80]  }
0x9c: {  	v6 =	vld.idx.msk [tilespmem:v6+s4+$0x0], $0xffff  }
0x9d: {  	v8 =	vld [tilespmem:s23+$0xFFFFFF90]  }
0x9e: {  	v9 =	vld [tilespmem:s23+$0xFFFFFFA0]  }
0x9f: {  	v10 =	vld [tilespmem:s23+$0xFFFFFFB0]  }
0xa0: {  	v11 =	vld [tilespmem:s23+$0xFFFFFFC0]  }
0xa1: {  	s21 =	sadd.s32 $0x200, s21;
	v12 =	vld [tilespmem:s23+$0xFFFFFFD0]  }
0xa2: {  	v13 =	vld [tilespmem:s23+$0xFFFFFFE0];
	[tilespmem:s21+$0x70] =	vst v6  }
0xa3: {  	v6 =	vld [tilespmem:s23+$0xFFFFFFF0]  }
0xa4: {  	v14 =	vld [tilespmem:s23+$0xFFFFFF10]  }
0xa5: {  	v0 =	vld.idx.msk [tilespmem:v0+s4+$0x0], $0xffff  }
0xa6: {  	v1 =	vld.idx.msk [tilespmem:v1+s4+$0x0], $0xffff  }
0xa7: {  	v2 =	vld.idx.msk [tilespmem:v2+s4+$0x0], $0xffff  }
0xa8: {  	v3 =	vld.idx.msk [tilespmem:v3+s4+$0x0], $0xffff  }
0xa9: {  	v4 =	vld.idx.msk [tilespmem:v4+s4+$0x0], $0xffff  }
0xaa: {  	v5 =	vld.idx.msk [tilespmem:v5+s4+$0x0], $0xffff  }
0xab: {  	[tilespmem:s21+$0xFFFFFF10] =	vst v0;
	v7 =	vld.idx.msk [tilespmem:v7+s4+$0x0], $0xffff  }
0xac: {  	v14 =	vld.idx.msk [tilespmem:v14+s4+$0x0], $0xffff;
	[tilespmem:s21+$0xFFFFFF20] =	vst v1  }
0xad: {  	[tilespmem:s21+$0xFFFFFF30] =	vst v2;
	v8 =	vld.idx.msk [tilespmem:v8+s4+$0x0], $0xffff  }
0xae: {  	[tilespmem:s21+$0xFFFFFF40] =	vst v3;
	v0 =	vld.idx.msk [tilespmem:v9+s4+$0x0], $0xffff  }
.Ltmp2:
0xaf: {  	[tilespmem:s21+$0xFFFFFF50] =	vst v4;
	v1 =	vld.idx.msk [tilespmem:v10+s4+$0x0], $0xffff;
	(pc) =	sbr.rel @p0 .LBB2_7-.Ltmp2, $4  }
0xb0: {  	[tilespmem:s21+$0xFFFFFF60] =	vst v5;
	v2 =	vld.idx.msk [tilespmem:v11+s4+$0x0], $0xffff  }
0xb1: {  	[tilespmem:s21+$0xFFFFFF70] =	vst v7;
	v3 =	vld.idx.msk [tilespmem:v12+s4+$0x0], $0xffff  }
0xb2: {  	[tilespmem:s21+$0xFFFFFF00] =	vst v14;
	v4 =	vld.idx.msk [tilespmem:v13+s4+$0x0], $0xffff  }
0xb3: {  	s23 =	sadd.s32 $0x100, s23;
	[tilespmem:s21+$0x0] =	vst v8;
	v5 =	vld.idx.msk [tilespmem:v6+s4+$0x0], $0xffff  }
0xb4: {  	[tilespmem:s21+$0x10] =	vst v0  }
0xb5: {  	[tilespmem:s21+$0x20] =	vst v1  }
0xb6: {  	[tilespmem:s21+$0x30] =	vst v2  }
0xb7: {  	[tilespmem:s21+$0x40] =	vst v3  }
0xb8: {  	s22 =	sadd.s32 s20, s7;
	s23 =	simm.s32 $0x1C780;
	[tilespmem:s21+$0x50] =	vst v4  }
0xb9: {  	s24 =	simm.s32 $0x1C880;
	s25 =	sadd.s32 $0x0, s22;
	[tilespmem:s21+$0x60] =	vst v5;
	s21 =	simm.s32 $0x80  }
.LBB2_9:
0xba: {  	[hbm4b:s25+s4] =	stream.linear.scatter [tilespmem:s23], [sflag:$0x3], $0x80, $0x38;
	[tilespmem:$0x1E700] =	vst v63  }
0xbb: {  	s25 =	smov.u32 s21;
	s23 =	smov.u32 s24;
	p0 =	sne.s32 s21, $0xF80  }
.Ltmp3:
0xbc: {  	s21 =	sadd.s32 $0x80, s21;
	(pc) =	sbr.rel @p0 .LBB2_9-.Ltmp3, $2  }
0xbd: {  	_ =	sdelay $0x2  }
0xbe: {  	s24 =	sadd.s32 $0x100, s24;
	s25 =	sadd.s32 s25, s22  }
0xbf: {  	[hbm4b:s25+s4] =	stream.linear.scatter [tilespmem:s23], [sflag:$0x3], $0x80, $0x38;
	[tilespmem:$0x1E700] =	vst v63  }
0xc0: {  	_ =	swait.ge [sflag:s16], $0x1000  }
0xc1: {  	[sflag:s16] =	ssyncset.done $0x0  }
0xc2: {  	s21 =	simm.s32 $0x1A7F0;
	[sflag:s16] =	ssyncadd.s32 $0xFFFFF000  }
0xc3: {  	v0 =	vld [tilespmem:s21+$0x0]  }
0xc4: {  	v1 =	vld [tilespmem:s21+$0xFFFFFF20]  }
0xc5: {  	v2 =	vld [tilespmem:s21+$0xFFFFFF30]  }
0xc6: {  	v3 =	vld [tilespmem:s21+$0xFFFFFF40]  }
0xc7: {  	v4 =	vld [tilespmem:s21+$0xFFFFFF50]  }
0xc8: {  	v5 =	vld [tilespmem:s21+$0xFFFFFF60]  }
0xc9: {  	v6 =	vld [tilespmem:s21+$0xFFFFFF70]  }
0xca: {  	v7 =	vld [tilespmem:s21+$0xFFFFFF80]  }
0xcb: {  	v8 =	vld [tilespmem:s21+$0xFFFFFF90]  }
0xcc: {  	v9 =	vld [tilespmem:s21+$0xFFFFFFA0]  }
0xcd: {  	v10 =	vld [tilespmem:s21+$0xFFFFFFB0]  }
0xce: {  	v11 =	vld [tilespmem:s21+$0xFFFFFFC0]  }
0xcf: {  	v12 =	vld [tilespmem:s21+$0xFFFFFFD0]  }
0xd0: {  	v13 =	vld [tilespmem:s21+$0xFFFFFFE0]  }
0xd1: {  	v14 =	vld [tilespmem:s21+$0xFFFFFFF0]  }
0xd2: {  	v15 =	vld [tilespmem:s21+$0xFFFFFF10]  }
0xd3: {  	v0 =	vld.idx.msk [tilespmem:v0+s4+$0x0], $0xffff  }
0xd4: {  	v1 =	vld.idx.msk [tilespmem:v1+s4+$0x0], $0xffff  }
0xd5: {  	v2 =	vld.idx.msk [tilespmem:v2+s4+$0x0], $0xffff  }
0xd6: {  	v3 =	vld.idx.msk [tilespmem:v3+s4+$0x0], $0xffff  }
0xd7: {  	v4 =	vld.idx.msk [tilespmem:v4+s4+$0x0], $0xffff  }
0xd8: {  	s21 =	simm.s32 $0x1C800;
	v5 =	vld.idx.msk [tilespmem:v5+s4+$0x0], $0xffff  }
0xd9: {  	v6 =	vld.idx.msk [tilespmem:v6+s4+$0x0], $0xffff;
	[tilespmem:s21+$0x70] =	vst v0  }
0xda: {  	v7 =	vld.idx.msk [tilespmem:v7+s4+$0x0], $0xffff;
	[tilespmem:s21+$0xFFFFFF10] =	vst v1  }
0xdb: {  	v15 =	vld.idx.msk [tilespmem:v15+s4+$0x0], $0xffff;
	[tilespmem:s21+$0xFFFFFF20] =	vst v2  }
0xdc: {  	v8 =	vld.idx.msk [tilespmem:v8+s4+$0x0], $0xffff;
	[tilespmem:s21+$0xFFFFFF30] =	vst v3  }
0xdd: {  	[tilespmem:s21+$0xFFFFFF40] =	vst v4;
	v0 =	vld.idx.msk [tilespmem:v9+s4+$0x0], $0xffff  }
0xde: {  	[tilespmem:s21+$0xFFFFFF50] =	vst v5;
	v1 =	vld.idx.msk [tilespmem:v10+s4+$0x0], $0xffff  }
0xdf: {  	[tilespmem:s21+$0xFFFFFF60] =	vst v6;
	v2 =	vld.idx.msk [tilespmem:v11+s4+$0x0], $0xffff  }
0xe0: {  	[tilespmem:s21+$0xFFFFFF70] =	vst v7;
	v3 =	vld.idx.msk [tilespmem:v12+s4+$0x0], $0xffff  }
0xe1: {  	[tilespmem:s21+$0xFFFFFF00] =	vst v15;
	v4 =	vld.idx.msk [tilespmem:v13+s4+$0x0], $0xffff  }
0xe2: {  	s22 =	simm.s32 $0x0;
	s23 =	simm.s32 $0x1A8F0;
	[tilespmem:s21+$0x0] =	vst v8;
	v5 =	vld.idx.msk [tilespmem:v14+s4+$0x0], $0xffff  }
.LBB2_11:
0xe3: {  	v6 =	vld [tilespmem:s23+$0x0];
	s22 =	sadd.s32 $0x10, s22;
	[tilespmem:s21+$0x10] =	vst v0  }
0xe4: {  	v0 =	vld [tilespmem:s23+$0xFFFFFF20];
	p0 =	slt.u32 s22, $0xF0;
	[tilespmem:s21+$0x20] =	vst v1  }
0xe5: {  	v1 =	vld [tilespmem:s23+$0xFFFFFF30];
	[tilespmem:s21+$0x30] =	vst v2  }
0xe6: {  	v2 =	vld [tilespmem:s23+$0xFFFFFF40];
	[tilespmem:s21+$0x40] =	vst v3  }
0xe7: {  	v3 =	vld [tilespmem:s23+$0xFFFFFF50];
	[tilespmem:s21+$0x50] =	vst v4  }
0xe8: {  	v4 =	vld [tilespmem:s23+$0xFFFFFF60];
	[tilespmem:s21+$0x60] =	vst v5  }
0xe9: {  	v5 =	vld [tilespmem:s23+$0xFFFFFF70]  }
0xea: {  	v7 =	vld [tilespmem:s23+$0xFFFFFF80]  }
0xeb: {  	v6 =	vld.idx.msk [tilespmem:v6+s4+$0x0], $0xffff  }
0xec: {  	v8 =	vld [tilespmem:s23+$0xFFFFFF90]  }
0xed: {  	v9 =	vld [tilespmem:s23+$0xFFFFFFA0]  }
0xee: {  	v10 =	vld [tilespmem:s23+$0xFFFFFFB0]  }
0xef: {  	v11 =	vld [tilespmem:s23+$0xFFFFFFC0]  }
0xf0: {  	s21 =	sadd.s32 $0x200, s21;
	v12 =	vld [tilespmem:s23+$0xFFFFFFD0]  }
0xf1: {  	v13 =	vld [tilespmem:s23+$0xFFFFFFE0];
	[tilespmem:s21+$0x70] =	vst v6  }
0xf2: {  	v6 =	vld [tilespmem:s23+$0xFFFFFFF0]  }
0xf3: {  	v14 =	vld [tilespmem:s23+$0xFFFFFF10]  }
0xf4: {  	v0 =	vld.idx.msk [tilespmem:v0+s4+$0x0], $0xffff  }
0xf5: {  	v1 =	vld.idx.msk [tilespmem:v1+s4+$0x0], $0xffff  }
0xf6: {  	v2 =	vld.idx.msk [tilespmem:v2+s4+$0x0], $0xffff  }
0xf7: {  	v3 =	vld.idx.msk [tilespmem:v3+s4+$0x0], $0xffff  }
0xf8: {  	v4 =	vld.idx.msk [tilespmem:v4+s4+$0x0], $0xffff  }
0xf9: {  	v5 =	vld.idx.msk [tilespmem:v5+s4+$0x0], $0xffff  }
0xfa: {  	[tilespmem:s21+$0xFFFFFF10] =	vst v0;
	v7 =	vld.idx.msk [tilespmem:v7+s4+$0x0], $0xffff  }
0xfb: {  	v14 =	vld.idx.msk [tilespmem:v14+s4+$0x0], $0xffff;
	[tilespmem:s21+$0xFFFFFF20] =	vst v1  }
0xfc: {  	[tilespmem:s21+$0xFFFFFF30] =	vst v2;
	v8 =	vld.idx.msk [tilespmem:v8+s4+$0x0], $0xffff  }
0xfd: {  	[tilespmem:s21+$0xFFFFFF40] =	vst v3;
	v0 =	vld.idx.msk [tilespmem:v9+s4+$0x0], $0xffff  }
.Ltmp4:
0xfe: {  	[tilespmem:s21+$0xFFFFFF50] =	vst v4;
	v1 =	vld.idx.msk [tilespmem:v10+s4+$0x0], $0xffff;
	(pc) =	sbr.rel @p0 .LBB2_11-.Ltmp4, $4  }
0xff: {  	[tilespmem:s21+$0xFFFFFF60] =	vst v5;
	v2 =	vld.idx.msk [tilespmem:v11+s4+$0x0], $0xffff  }
0x100: {  	[tilespmem:s21+$0xFFFFFF70] =	vst v7;
	v3 =	vld.idx.msk [tilespmem:v12+s4+$0x0], $0xffff  }
0x101: {  	[tilespmem:s21+$0xFFFFFF00] =	vst v14;
	v4 =	vld.idx.msk [tilespmem:v13+s4+$0x0], $0xffff  }
0x102: {  	s23 =	sadd.s32 $0x100, s23;
	[tilespmem:s21+$0x0] =	vst v8;
	v5 =	vld.idx.msk [tilespmem:v6+s4+$0x0], $0xffff  }
0x103: {  	[tilespmem:s21+$0x10] =	vst v0  }
0x104: {  	[tilespmem:s21+$0x20] =	vst v1  }
0x105: {  	[tilespmem:s21+$0x30] =	vst v2  }
0x106: {  	[tilespmem:s21+$0x40] =	vst v3  }
0x107: {  	s22 =	sadd.s32 s20, s8;
	s23 =	simm.s32 $0x1C700;
	[tilespmem:s21+$0x50] =	vst v4  }
0x108: {  	s24 =	simm.s32 $0x1C800;
	s25 =	sadd.s32 $0x0, s22;
	[tilespmem:s21+$0x60] =	vst v5;
	s21 =	simm.s32 $0x80  }
.LBB2_13:
0x109: {  	[hbm4b:s25+s4] =	stream.linear.scatter [tilespmem:s23], [sflag:$0x2], $0x80, $0x38;
	[tilespmem:$0x1E700] =	vst v63  }
0x10a: {  	s25 =	smov.u32 s21;
	s23 =	smov.u32 s24;
	p0 =	sne.s32 s21, $0xF80  }
.Ltmp5:
0x10b: {  	s21 =	sadd.s32 $0x80, s21;
	(pc) =	sbr.rel @p0 .LBB2_13-.Ltmp5, $2  }
0x10c: {  	_ =	sdelay $0x2  }
0x10d: {  	s24 =	sadd.s32 $0x100, s24;
	s25 =	sadd.s32 s25, s22  }
0x10e: {  	[hbm4b:s25+s4] =	stream.linear.scatter [tilespmem:s23], [sflag:$0x2], $0x80, $0x38;
	[tilespmem:$0x1E700] =	vst v63  }
0x10f: {  	_ =	swait.ge [sflag:s17], $0x1000  }
0x110: {  	[sflag:s17] =	ssyncset.done $0x0  }
0x111: {  	s21 =	simm.s32 $0x1B7F0;
	[sflag:s17] =	ssyncadd.s32 $0xFFFFF000  }
0x112: {  	v0 =	vld [tilespmem:s21+$0x0]  }
0x113: {  	v1 =	vld [tilespmem:s21+$0xFFFFFF20]  }
0x114: {  	v2 =	vld [tilespmem:s21+$0xFFFFFF30]  }
0x115: {  	v3 =	vld [tilespmem:s21+$0xFFFFFF40]  }
0x116: {  	v4 =	vld [tilespmem:s21+$0xFFFFFF50]  }
0x117: {  	v5 =	vld [tilespmem:s21+$0xFFFFFF60]  }
0x118: {  	v6 =	vld [tilespmem:s21+$0xFFFFFF70]  }
0x119: {  	v7 =	vld [tilespmem:s21+$0xFFFFFF80]  }
0x11a: {  	v8 =	vld [tilespmem:s21+$0xFFFFFF90]  }
0x11b: {  	v9 =	vld [tilespmem:s21+$0xFFFFFFA0]  }
0x11c: {  	v10 =	vld [tilespmem:s21+$0xFFFFFFB0]  }
0x11d: {  	v11 =	vld [tilespmem:s21+$0xFFFFFFC0]  }
0x11e: {  	v12 =	vld [tilespmem:s21+$0xFFFFFFD0]  }
0x11f: {  	v13 =	vld [tilespmem:s21+$0xFFFFFFE0]  }
0x120: {  	v14 =	vld [tilespmem:s21+$0xFFFFFFF0]  }
0x121: {  	v15 =	vld [tilespmem:s21+$0xFFFFFF10]  }
0x122: {  	v0 =	vld.idx.msk [tilespmem:v0+s4+$0x0], $0xffff  }
0x123: {  	v1 =	vld.idx.msk [tilespmem:v1+s4+$0x0], $0xffff  }
0x124: {  	v2 =	vld.idx.msk [tilespmem:v2+s4+$0x0], $0xffff  }
0x125: {  	v3 =	vld.idx.msk [tilespmem:v3+s4+$0x0], $0xffff  }
0x126: {  	v4 =	vld.idx.msk [tilespmem:v4+s4+$0x0], $0xffff  }
0x127: {  	s21 =	simm.s32 $0x1C880;
	v5 =	vld.idx.msk [tilespmem:v5+s4+$0x0], $0xffff  }
0x128: {  	v6 =	vld.idx.msk [tilespmem:v6+s4+$0x0], $0xffff;
	[tilespmem:s21+$0x70] =	vst v0  }
0x129: {  	v7 =	vld.idx.msk [tilespmem:v7+s4+$0x0], $0xffff;
	[tilespmem:s21+$0xFFFFFF10] =	vst v1  }
0x12a: {  	v15 =	vld.idx.msk [tilespmem:v15+s4+$0x0], $0xffff;
	[tilespmem:s21+$0xFFFFFF20] =	vst v2  }
0x12b: {  	v8 =	vld.idx.msk [tilespmem:v8+s4+$0x0], $0xffff;
	[tilespmem:s21+$0xFFFFFF30] =	vst v3  }
0x12c: {  	[tilespmem:s21+$0xFFFFFF40] =	vst v4;
	v0 =	vld.idx.msk [tilespmem:v9+s4+$0x0], $0xffff  }
0x12d: {  	[tilespmem:s21+$0xFFFFFF50] =	vst v5;
	v1 =	vld.idx.msk [tilespmem:v10+s4+$0x0], $0xffff  }
0x12e: {  	[tilespmem:s21+$0xFFFFFF60] =	vst v6;
	v2 =	vld.idx.msk [tilespmem:v11+s4+$0x0], $0xffff  }
0x12f: {  	[tilespmem:s21+$0xFFFFFF70] =	vst v7;
	v3 =	vld.idx.msk [tilespmem:v12+s4+$0x0], $0xffff  }
0x130: {  	[tilespmem:s21+$0xFFFFFF00] =	vst v15;
	v4 =	vld.idx.msk [tilespmem:v13+s4+$0x0], $0xffff  }
0x131: {  	s22 =	simm.s32 $0x0;
	s23 =	simm.s32 $0x1B8F0;
	[tilespmem:s21+$0x0] =	vst v8;
	v5 =	vld.idx.msk [tilespmem:v14+s4+$0x0], $0xffff  }
.LBB2_15:
0x132: {  	v6 =	vld [tilespmem:s23+$0x0];
	s22 =	sadd.s32 $0x10, s22;
	[tilespmem:s21+$0x10] =	vst v0  }
0x133: {  	v0 =	vld [tilespmem:s23+$0xFFFFFF20];
	p0 =	slt.u32 s22, $0xF0;
	[tilespmem:s21+$0x20] =	vst v1  }
0x134: {  	v1 =	vld [tilespmem:s23+$0xFFFFFF30];
	[tilespmem:s21+$0x30] =	vst v2  }
0x135: {  	v2 =	vld [tilespmem:s23+$0xFFFFFF40];
	[tilespmem:s21+$0x40] =	vst v3  }
0x136: {  	v3 =	vld [tilespmem:s23+$0xFFFFFF50];
	[tilespmem:s21+$0x50] =	vst v4  }
0x137: {  	v4 =	vld [tilespmem:s23+$0xFFFFFF60];
	[tilespmem:s21+$0x60] =	vst v5  }
0x138: {  	v5 =	vld [tilespmem:s23+$0xFFFFFF70]  }
0x139: {  	v7 =	vld [tilespmem:s23+$0xFFFFFF80]  }
0x13a: {  	v6 =	vld.idx.msk [tilespmem:v6+s4+$0x0], $0xffff  }
0x13b: {  	v8 =	vld [tilespmem:s23+$0xFFFFFF90]  }
0x13c: {  	v9 =	vld [tilespmem:s23+$0xFFFFFFA0]  }
0x13d: {  	v10 =	vld [tilespmem:s23+$0xFFFFFFB0]  }
0x13e: {  	v11 =	vld [tilespmem:s23+$0xFFFFFFC0]  }
0x13f: {  	s21 =	sadd.s32 $0x200, s21;
	v12 =	vld [tilespmem:s23+$0xFFFFFFD0]  }
0x140: {  	v13 =	vld [tilespmem:s23+$0xFFFFFFE0];
	[tilespmem:s21+$0x70] =	vst v6  }
0x141: {  	v6 =	vld [tilespmem:s23+$0xFFFFFFF0]  }
0x142: {  	v14 =	vld [tilespmem:s23+$0xFFFFFF10]  }
0x143: {  	v0 =	vld.idx.msk [tilespmem:v0+s4+$0x0], $0xffff  }
0x144: {  	v1 =	vld.idx.msk [tilespmem:v1+s4+$0x0], $0xffff  }
0x145: {  	v2 =	vld.idx.msk [tilespmem:v2+s4+$0x0], $0xffff  }
0x146: {  	v3 =	vld.idx.msk [tilespmem:v3+s4+$0x0], $0xffff  }
0x147: {  	v4 =	vld.idx.msk [tilespmem:v4+s4+$0x0], $0xffff  }
0x148: {  	v5 =	vld.idx.msk [tilespmem:v5+s4+$0x0], $0xffff  }
0x149: {  	[tilespmem:s21+$0xFFFFFF10] =	vst v0;
	v7 =	vld.idx.msk [tilespmem:v7+s4+$0x0], $0xffff  }
0x14a: {  	v14 =	vld.idx.msk [tilespmem:v14+s4+$0x0], $0xffff;
	[tilespmem:s21+$0xFFFFFF20] =	vst v1  }
0x14b: {  	[tilespmem:s21+$0xFFFFFF30] =	vst v2;
	v8 =	vld.idx.msk [tilespmem:v8+s4+$0x0], $0xffff  }
0x14c: {  	[tilespmem:s21+$0xFFFFFF40] =	vst v3;
	v0 =	vld.idx.msk [tilespmem:v9+s4+$0x0], $0xffff  }
.Ltmp6:
0x14d: {  	[tilespmem:s21+$0xFFFFFF50] =	vst v4;
	v1 =	vld.idx.msk [tilespmem:v10+s4+$0x0], $0xffff;
	(pc) =	sbr.rel @p0 .LBB2_15-.Ltmp6, $4  }
0x14e: {  	[tilespmem:s21+$0xFFFFFF60] =	vst v5;
	v2 =	vld.idx.msk [tilespmem:v11+s4+$0x0], $0xffff  }
0x14f: {  	[tilespmem:s21+$0xFFFFFF70] =	vst v7;
	v3 =	vld.idx.msk [tilespmem:v12+s4+$0x0], $0xffff  }
0x150: {  	[tilespmem:s21+$0xFFFFFF00] =	vst v14;
	v4 =	vld.idx.msk [tilespmem:v13+s4+$0x0], $0xffff  }
0x151: {  	s23 =	sadd.s32 $0x100, s23;
	[tilespmem:s21+$0x0] =	vst v8;
	v5 =	vld.idx.msk [tilespmem:v6+s4+$0x0], $0xffff  }
0x152: {  	[tilespmem:s21+$0x10] =	vst v0  }
0x153: {  	[tilespmem:s21+$0x20] =	vst v1  }
0x154: {  	[tilespmem:s21+$0x30] =	vst v2  }
0x155: {  	[tilespmem:s21+$0x40] =	vst v3  }
0x156: {  	s20 =	sadd.s32 s20, s9;
	s22 =	simm.s32 $0x1C780;
	[tilespmem:s21+$0x50] =	vst v4  }
0x157: {  	s23 =	simm.s32 $0x1C880;
	s24 =	sadd.s32 $0x0, s20;
	[tilespmem:s21+$0x60] =	vst v5;
	s21 =	simm.s32 $0x80  }
.LBB2_17:
0x158: {  	[hbm4b:s24+s4] =	stream.linear.scatter [tilespmem:s22], [sflag:$0x3], $0x80, $0x38;
	[tilespmem:$0x1E700] =	vst v63  }
0x159: {  	s24 =	smov.u32 s21;
	s22 =	smov.u32 s23;
	p0 =	sne.s32 s21, $0xF80  }
.Ltmp7:
0x15a: {  	s21 =	sadd.s32 $0x80, s21;
	(pc) =	sbr.rel @p0 .LBB2_17-.Ltmp7, $2  }
0x15b: {  	_ =	sdelay $0x2  }
0x15c: {  	s23 =	sadd.s32 $0x100, s23;
	s24 =	sadd.s32 s24, s20  }
0x15d: {  	s19 =	sadd.s32 $0x1, s19  }
0x15e: {  	p0 =	sne.s32 s19, $0x1A  }
.Ltmp8:
0x15f: {  	_ = 	snop;
	(pc) =	sbr.rel @p0 .LBB2_2-.Ltmp8, $2  }
0x160: {  	_ =	sdelay $0x2  }
0x161: {  	[hbm4b:s24+s4] =	stream.linear.scatter [tilespmem:s22], [sflag:$0x3], $0x80, $0x38;
	[tilespmem:$0x1E700] =	vst v63  }
0x162: {  	s18 =	sadd.s32 $0x1, s18  }
0x163: {  	_ =	swait.ge [sflag:s16], $0x1000;
	p0 =	sne.s32 s18, s10  }
.Ltmp9:
0x164: {  	[sflag:s16] =	ssyncset.done $0x0;
	(pc) =	sbr.rel @p0 .LBB2_1-.Ltmp9, $4  }
0x165: {  	[sflag:s16] =	ssyncadd.s32 $0xFFFFF000  }
0x166: {  	_ =	swait.ge [sflag:s17], $0x1000  }
0x167: {  	[sflag:s17] =	ssyncset.done $0x0  }
0x168: {  	[sflag:s17] =	ssyncadd.s32 $0xFFFFF000  }
0x169: {  	_ =	sfence.sel $0x180000  }
0x16a: {  	[bflag:$0x0] =	sbarrier.arrive $0xFFFF  }
0x16b: {  	p0 =	sne.s32 s3, $0x0;
	_ =	strace $0x90000047  }
0x16c: {  	s0 =	sadd.s32 @!p0 $0x100000, s0;
	[bflag:$0x2] =	sbarrier.arrive $0xFFFF  }
0x16d: {  	[sflag:s0] =	ssyncadd.tile.s32 @!p0 $0x1;
	_ =	shalt  }
.Lfunc_end2:
_tile_overlayer_lowered:
.L_overlay_start_2:
0x16e: {  	(tag) =	ssettag $0x2  }
0x16f: {  	s0 =	rddreg [dreg:$0x0];
	s2 =	stileid.u32  }
0x170: {  	s1 =	rddreg [dreg:$0x1];
	p0 =	sne.s32 s2, $0x0  }
0x171: {  	s3 =	rddreg [dreg:$0x2];
	[bflag:$0x3] =	sbarrier.arrive $0xFFFF;
	s2 =	simm.s32 @!p0 $0x1C04  }
0x172: {  	[timem:s3], [sflag:s2] =	dma.local @!p0 [hbm:s0], s1  }
0x173: {  	s0 =	simm.s32 @!p0 $0x4  }
0x174: {  	_ =	swait.ge @!p0 [sflag:s0], s1  }
0x175: {  	s1 =	ssub.s32 @!p0 $0x0, s1;
	[sflag:s0] =	ssyncset.done @!p0 $0x0  }
0x176: {  	[sflag:s0] =	ssyncadd.s32 @!p0 s1  }
0x177: {  	[bflag:$0x3] =	sbarrier.arrive $0xFFFF  }
0x178: {  	_ =	shalt  }

</sc_bundles>
